<compile_context>
chip_gen: v7x
topology: tpu7x:2x2x1
jax: 0.10.2.dev20260603
libtpu: 0.0.44.dev20260713+nightly
codegen_flags: <defaults>
</compile_context>

<pallas_src>
import functools

import jax
import jax.numpy as jnp
from jax import lax
from jax.experimental import pallas as pl
from jax.experimental.pallas import tpu as pltpu
from jax.experimental.pallas import tpu_sc as plsc

D = 64
S = 50
LR = 16

_info = plsc.get_sparse_core_info()
NW = _info.num_cores * _info.num_subcores


def _sc_gather(table_hbm, labels_hbm, out_hbm, table_v, idx_a, idx_b, buf_a,
               buf_b, gsem_a, gsem_b, ssem_a, ssem_b, *, n_groups):
    wid = lax.axis_index("s") * _info.num_cores + lax.axis_index("c")
    wrow = wid * (n_groups * LR)

    @pl.when(lax.axis_index("s") == 0)
    def _():
        pltpu.sync_copy(table_hbm, table_v)

    plsc.subcore_barrier()

    def fire_group(g, idx_v, buf, gsem):
        pltpu.sync_copy(labels_hbm.at[pl.ds(wrow + g * LR, LR)], idx_v)
        for r in range(LR):
            pltpu.async_copy(table_v.at[idx_v.at[r]], buf.at[r], gsem)

    def wait_gathers(buf, gsem):
        pltpu.make_async_copy(out_hbm.at[pl.ds(0, LR)], buf, gsem).wait()

    def fire_store(g, buf, ssem):
        pltpu.async_copy(buf, out_hbm.at[pl.ds(wrow + g * LR, LR)], ssem)

    def wait_store(g, buf, ssem):
        pltpu.make_async_copy(
            buf, out_hbm.at[pl.ds(wrow + g * LR, LR)], ssem).wait()

    fire_group(0, idx_a, buf_a, gsem_a)

    def body(i, _):
        g0 = 2 * i
        g1 = g0 + 1

        @pl.when(i > 0)
        def _():
            wait_store(g0 - 1, buf_b, ssem_b)

        fire_group(g1, idx_b, buf_b, gsem_b)
        wait_gathers(buf_a, gsem_a)
        fire_store(g0, buf_a, ssem_a)

        @pl.when(i < (n_groups // 2 - 1))
        def _():
            wait_store(g0, buf_a, ssem_a)
            fire_group(g0 + 2, idx_a, buf_a, gsem_a)

        wait_gathers(buf_b, gsem_b)
        fire_store(g1, buf_b, ssem_b)
        return 0

    lax.fori_loop(0, n_groups // 2, body, 0)
    wait_store(n_groups - 2, buf_a, ssem_a)
    wait_store(n_groups - 1, buf_b, ssem_b)


def kernel(labels, embeddings):
    n, s = labels.shape
    assert s == S and n % (NW * LR) == 0
    n_groups = n // (NW * LR)

    idx = labels.astype(jnp.int32)

    mesh = plsc.VectorSubcoreMesh(core_axis_name="c", subcore_axis_name="s")
    k = functools.partial(
        pl.kernel,
        mesh=mesh,
        out_type=jax.ShapeDtypeStruct((n, S, D), jnp.float32),
        scratch_types=[
            pltpu.VMEM_SHARED((1000, D), jnp.float32),
            pltpu.VMEM((LR, S), jnp.int32),
            pltpu.VMEM((LR, S), jnp.int32),
            pltpu.VMEM((LR, S, D), jnp.float32),
            pltpu.VMEM((LR, S, D), jnp.float32),
            pltpu.SemaphoreType.DMA,
            pltpu.SemaphoreType.DMA,
            pltpu.SemaphoreType.DMA,
            pltpu.SemaphoreType.DMA,
        ],
        compiler_params=pltpu.CompilerParams(use_tc_tiling_on_sc=False),
    )(functools.partial(_sc_gather, n_groups=n_groups))
    return k(embeddings, idx)

# --- scband reference (transcript-rebuilt; emitter-appended) ---
"""Pipeline reference for scband-basic-ordinal-embedder-74620761801383 (READ-ONLY COPY).

The authoritative reference and input builder live on the scoring server;
editing this copy changes nothing except your own understanding.
"""

import jax, jax.numpy as jnp
import numpy as np

NUM_CLASSES = 1000
EMBED_DIM = 64


def setup_inputs(seed: int = 0) -> dict:
    key = jax.random.key(seed)
    k1, k2 = jax.random.split(key)
    labels = jax.random.randint(k1, (16384, 50), 0, NUM_CLASSES)
    embeddings = jax.random.normal(k2, (NUM_CLASSES, EMBED_DIM), dtype=jnp.float32) * 0.02
    return {"labels": labels, "embeddings": embeddings}


def reference(labels, embeddings):
    # Faithful port of BasicOrdinalEmbedder.forward (unconditional=False path).
    max_idx = NUM_CLASSES - 1
    lab = labels.astype(embeddings.dtype)
    lab = jnp.clip(lab, 0.0, float(max_idx))
    lower = jnp.floor(lab)
    upper = jnp.minimum(lower + 1.0, float(max_idx))
    alpha = lab - lower
    li = lower.astype(jnp.int32)
    ui = upper.astype(jnp.int32)
    emb_lo = jnp.take(embeddings, li, axis=0)
    emb_hi = jnp.take(embeddings, ui, axis=0)
    a = alpha[..., None]
    out = emb_lo * (1.0 - a) + emb_hi * a
    return out

if __name__ == "__main__":
    import jax
    _d = setup_inputs()
    print(jax.jit(kernel)(*tuple(_d.values())))

</pallas_src>

<mosaic_0001>
#map = affine_map<(d0, d1) -> (0, 0)>
#map1 = affine_map<(d0, d1) -> (0, 0, 0)>
module attributes {stable_mosaic.version = 14 : i64} {
  func.func @_sc_gather(%arg0: i32, %arg1: i32, %arg2: memref<1000x64xf32, #tpu.memory_space<hbm>>, %arg3: memref<16384x50xi32, #tpu.memory_space<hbm>>, %arg4: memref<16384x50x64xf32, #tpu.memory_space<hbm>>, %arg5: memref<1000x64xf32, #tpu.memory_space<vmem_shared>>, %arg6: memref<16x50xi32, #tpu.memory_space<vmem>>, %arg7: memref<16x50xi32, #tpu.memory_space<vmem>>, %arg8: memref<16x50x64xf32, #tpu.memory_space<vmem>>, %arg9: memref<16x50x64xf32, #tpu.memory_space<vmem>>, %arg10: memref<!tpu.dma_semaphore, #tpu.memory_space<semaphore_mem>>, %arg11: memref<!tpu.dma_semaphore, #tpu.memory_space<semaphore_mem>>, %arg12: memref<!tpu.dma_semaphore, #tpu.memory_space<semaphore_mem>>, %arg13: memref<!tpu.dma_semaphore, #tpu.memory_space<semaphore_mem>>) attributes {dimension_semantics = [#tpu.dimension_semantics<core_parallel>, #tpu.dimension_semantics<subcore_parallel>], iteration_bounds = array<i64: 2, 16>, scalar_prefetch = 0 : i64, scratch_operands = 9 : i64, tpu.core_type = #tpu.core_type<sc_vector_subcore>, window_params = [{transform_indices = #map}, {transform_indices = #map}, {transform_indices = #map1}]} {
    %mul3A = arith.constant 2 : i32
    %mul3A_0 = arith.muli %arg1, %mul3A : i32
    %add3A = arith.addi %mul3A_0, %arg0 : i32
    %mul3A_1 = arith.constant 512 : i32
    %mul3A_2 = arith.muli %add3A, %mul3A_1 : i32
    %eq3A = arith.constant 0 : i32
    %eq3A_3 = arith.cmpi eq, %arg1, %eq3A : i32
    %convert_element_type3A = arith.extui %eq3A_3 : i1 to i32
    %cond3A = arith.constant 0 : i32
    %cond3A_4 = arith.cmpi ne, %convert_element_type3A, %cond3A : i32
    scf.if %cond3A_4 {
      "tpu.region"() ({
        %run_scoped3A = tpu.sem_alloc : memref<!tpu.dma_semaphore, #tpu.memory_space<semaphore_mem>>
        tpu.enqueue_dma source(%arg2 : memref<1000x64xf32, #tpu.memory_space<hbm>>) target(%arg5 : memref<1000x64xf32, #tpu.memory_space<vmem_shared>>) target_semaphore(%run_scoped3A : memref<!tpu.dma_semaphore, #tpu.memory_space<semaphore_mem>>)
        tpu.wait_dma2 semaphore(%run_scoped3A : memref<!tpu.dma_semaphore, #tpu.memory_space<semaphore_mem>>) src(%arg2 : memref<1000x64xf32, #tpu.memory_space<hbm>>) dst(%arg5 : memref<1000x64xf32, #tpu.memory_space<vmem_shared>>)
        tpu.yield
      }) : () -> ()
    } else {
    }
    %barrier3A = arith.constant 0 : index
    tpu.barrier barrier_id(%barrier3A)
    %add3A_5 = arith.constant 0 : i32
    %add3A_6 = arith.addi %mul3A_2, %add3A_5 : i32
    "tpu.region"() ({
      %run_scoped3A = tpu.sem_alloc : memref<!tpu.dma_semaphore, #tpu.memory_space<semaphore_mem>>
      %dma_start3A_219 = arith.constant 0 : i32
      %dma_start3A_220 = tpu.memref_slice %arg3[%add3A_6, %dma_start3A_219] : memref<16384x50xi32, #tpu.memory_space<hbm>> -> memref<16x50xi32, #tpu.memory_space<hbm>>
      %dma_start3A_221 = arith.constant 0 : i32
      %dma_start3A_222 = tpu.memref_slice %arg3[%add3A_6, %dma_start3A_221] : memref<16384x50xi32, #tpu.memory_space<hbm>> -> memref<16x50xi32, #tpu.memory_space<hbm>>
      tpu.enqueue_dma source(%dma_start3A_222 : memref<16x50xi32, #tpu.memory_space<hbm>>) target(%arg6 : memref<16x50xi32, #tpu.memory_space<vmem>>) target_semaphore(%run_scoped3A : memref<!tpu.dma_semaphore, #tpu.memory_space<semaphore_mem>>)
      %dma_wait3A_223 = arith.constant 0 : i32
      %dma_wait3A_224 = tpu.memref_slice %arg3[%add3A_6, %dma_wait3A_223] : memref<16384x50xi32, #tpu.memory_space<hbm>> -> memref<16x50xi32, #tpu.memory_space<hbm>>
      %dma_wait3A_225 = arith.constant 0 : i32
      %dma_wait3A_226 = tpu.memref_slice %arg3[%add3A_6, %dma_wait3A_225] : memref<16384x50xi32, #tpu.memory_space<hbm>> -> memref<16x50xi32, #tpu.memory_space<hbm>>
      tpu.wait_dma2 semaphore(%run_scoped3A : memref<!tpu.dma_semaphore, #tpu.memory_space<semaphore_mem>>) src(%dma_wait3A_226 : memref<16x50xi32, #tpu.memory_space<hbm>>) dst(%arg6 : memref<16x50xi32, #tpu.memory_space<vmem>>)
      tpu.yield
    }) : () -> ()
    %dma_start3A = arith.constant 0 : i32
    %dma_start3A_7 = arith.constant 0 : i32
    %dma_start3A_8 = arith.constant 0 : i32
    %dma_start3A_9 = arith.constant 0 : i32
    %dma_start3A_10 = tpu.memref_slice %arg8[%dma_start3A_7, %dma_start3A_8, %dma_start3A_9] : memref<16x50x64xf32, #tpu.memory_space<vmem>> -> memref<1x50x64xf32, #tpu.memory_space<vmem>>
    %dma_start3A_11 = tpu.memref_squeeze %dma_start3A_10 : memref<1x50x64xf32, #tpu.memory_space<vmem>> -> memref<50x64xf32, #tpu.memory_space<vmem>>
    %dma_start3A_12 = arith.constant 0 : i32
    %dma_start3A_13 = tpu.memref_slice %arg6[%dma_start3A, %dma_start3A_12] : memref<16x50xi32, #tpu.memory_space<vmem>> -> memref<1x50xi32, #tpu.memory_space<vmem>>
    %dma_start3A_14 = tpu.memref_squeeze %dma_start3A_13 : memref<1x50xi32, #tpu.memory_space<vmem>> -> memref<50xi32, #tpu.memory_space<vmem>>
    %dma_start3A_15 = arith.constant 0 : i32
    %dma_start3A_16 = arith.constant 0 : i32
    %dma_start3A_17 = tpu.memref_slice %arg5[%dma_start3A_15, %dma_start3A_16] : memref<1000x64xf32, #tpu.memory_space<vmem_shared>> -> memref<1000x64xf32, #tpu.memory_space<vmem_shared>>
    tpu.enqueue_indirect_dma source(%dma_start3A_17 : memref<1000x64xf32, #tpu.memory_space<vmem_shared>>) target(%dma_start3A_11 : memref<50x64xf32, #tpu.memory_space<vmem>>) offsets(%dma_start3A_14 : memref<50xi32, #tpu.memory_space<vmem>>) semaphore(%arg10 : memref<!tpu.dma_semaphore, #tpu.memory_space<semaphore_mem>>)
    %dma_start3A_18 = arith.constant 1 : i32
    %dma_start3A_19 = arith.constant 1 : i32
    %dma_start3A_20 = arith.constant 0 : i32
    %dma_start3A_21 = arith.constant 0 : i32
    %dma_start3A_22 = tpu.memref_slice %arg8[%dma_start3A_19, %dma_start3A_20, %dma_start3A_21] : memref<16x50x64xf32, #tpu.memory_space<vmem>> -> memref<1x50x64xf32, #tpu.memory_space<vmem>>
    %dma_start3A_23 = tpu.memref_squeeze %dma_start3A_22 : memref<1x50x64xf32, #tpu.memory_space<vmem>> -> memref<50x64xf32, #tpu.memory_space<vmem>>
    %dma_start3A_24 = arith.constant 0 : i32
    %dma_start3A_25 = tpu.memref_slice %arg6[%dma_start3A_18, %dma_start3A_24] : memref<16x50xi32, #tpu.memory_space<vmem>> -> memref<1x50xi32, #tpu.memory_space<vmem>>
    %dma_start3A_26 = tpu.memref_squeeze %dma_start3A_25 : memref<1x50xi32, #tpu.memory_space<vmem>> -> memref<50xi32, #tpu.memory_space<vmem>>
    %dma_start3A_27 = arith.constant 0 : i32
    %dma_start3A_28 = arith.constant 0 : i32
    %dma_start3A_29 = tpu.memref_slice %arg5[%dma_start3A_27, %dma_start3A_28] : memref<1000x64xf32, #tpu.memory_space<vmem_shared>> -> memref<1000x64xf32, #tpu.memory_space<vmem_shared>>
    tpu.enqueue_indirect_dma source(%dma_start3A_29 : memref<1000x64xf32, #tpu.memory_space<vmem_shared>>) target(%dma_start3A_23 : memref<50x64xf32, #tpu.memory_space<vmem>>) offsets(%dma_start3A_26 : memref<50xi32, #tpu.memory_space<vmem>>) semaphore(%arg10 : memref<!tpu.dma_semaphore, #tpu.memory_space<semaphore_mem>>)
    %dma_start3A_30 = arith.constant 2 : i32
    %dma_start3A_31 = arith.constant 2 : i32
    %dma_start3A_32 = arith.constant 0 : i32
    %dma_start3A_33 = arith.constant 0 : i32
    %dma_start3A_34 = tpu.memref_slice %arg8[%dma_start3A_31, %dma_start3A_32, %dma_start3A_33] : memref<16x50x64xf32, #tpu.memory_space<vmem>> -> memref<1x50x64xf32, #tpu.memory_space<vmem>>
    %dma_start3A_35 = tpu.memref_squeeze %dma_start3A_34 : memref<1x50x64xf32, #tpu.memory_space<vmem>> -> memref<50x64xf32, #tpu.memory_space<vmem>>
    %dma_start3A_36 = arith.constant 0 : i32
    %dma_start3A_37 = tpu.memref_slice %arg6[%dma_start3A_30, %dma_start3A_36] : memref<16x50xi32, #tpu.memory_space<vmem>> -> memref<1x50xi32, #tpu.memory_space<vmem>>
    %dma_start3A_38 = tpu.memref_squeeze %dma_start3A_37 : memref<1x50xi32, #tpu.memory_space<vmem>> -> memref<50xi32, #tpu.memory_space<vmem>>
    %dma_start3A_39 = arith.constant 0 : i32
    %dma_start3A_40 = arith.constant 0 : i32
    %dma_start3A_41 = tpu.memref_slice %arg5[%dma_start3A_39, %dma_start3A_40] : memref<1000x64xf32, #tpu.memory_space<vmem_shared>> -> memref<1000x64xf32, #tpu.memory_space<vmem_shared>>
    tpu.enqueue_indirect_dma source(%dma_start3A_41 : memref<1000x64xf32, #tpu.memory_space<vmem_shared>>) target(%dma_start3A_35 : memref<50x64xf32, #tpu.memory_space<vmem>>) offsets(%dma_start3A_38 : memref<50xi32, #tpu.memory_space<vmem>>) semaphore(%arg10 : memref<!tpu.dma_semaphore, #tpu.memory_space<semaphore_mem>>)
    %dma_start3A_42 = arith.constant 3 : i32
    %dma_start3A_43 = arith.constant 3 : i32
    %dma_start3A_44 = arith.constant 0 : i32
    %dma_start3A_45 = arith.constant 0 : i32
    %dma_start3A_46 = tpu.memref_slice %arg8[%dma_start3A_43, %dma_start3A_44, %dma_start3A_45] : memref<16x50x64xf32, #tpu.memory_space<vmem>> -> memref<1x50x64xf32, #tpu.memory_space<vmem>>
    %dma_start3A_47 = tpu.memref_squeeze %dma_start3A_46 : memref<1x50x64xf32, #tpu.memory_space<vmem>> -> memref<50x64xf32, #tpu.memory_space<vmem>>
    %dma_start3A_48 = arith.constant 0 : i32
    %dma_start3A_49 = tpu.memref_slice %arg6[%dma_start3A_42, %dma_start3A_48] : memref<16x50xi32, #tpu.memory_space<vmem>> -> memref<1x50xi32, #tpu.memory_space<vmem>>
    %dma_start3A_50 = tpu.memref_squeeze %dma_start3A_49 : memref<1x50xi32, #tpu.memory_space<vmem>> -> memref<50xi32, #tpu.memory_space<vmem>>
    %dma_start3A_51 = arith.constant 0 : i32
    %dma_start3A_52 = arith.constant 0 : i32
    %dma_start3A_53 = tpu.memref_slice %arg5[%dma_start3A_51, %dma_start3A_52] : memref<1000x64xf32, #tpu.memory_space<vmem_shared>> -> memref<1000x64xf32, #tpu.memory_space<vmem_shared>>
    tpu.enqueue_indirect_dma source(%dma_start3A_53 : memref<1000x64xf32, #tpu.memory_space<vmem_shared>>) target(%dma_start3A_47 : memref<50x64xf32, #tpu.memory_space<vmem>>) offsets(%dma_start3A_50 : memref<50xi32, #tpu.memory_space<vmem>>) semaphore(%arg10 : memref<!tpu.dma_semaphore, #tpu.memory_space<semaphore_mem>>)
    %dma_start3A_54 = arith.constant 4 : i32
    %dma_start3A_55 = arith.constant 4 : i32
    %dma_start3A_56 = arith.constant 0 : i32
    %dma_start3A_57 = arith.constant 0 : i32
    %dma_start3A_58 = tpu.memref_slice %arg8[%dma_start3A_55, %dma_start3A_56, %dma_start3A_57] : memref<16x50x64xf32, #tpu.memory_space<vmem>> -> memref<1x50x64xf32, #tpu.memory_space<vmem>>
    %dma_start3A_59 = tpu.memref_squeeze %dma_start3A_58 : memref<1x50x64xf32, #tpu.memory_space<vmem>> -> memref<50x64xf32, #tpu.memory_space<vmem>>
    %dma_start3A_60 = arith.constant 0 : i32
    %dma_start3A_61 = tpu.memref_slice %arg6[%dma_start3A_54, %dma_start3A_60] : memref<16x50xi32, #tpu.memory_space<vmem>> -> memref<1x50xi32, #tpu.memory_space<vmem>>
    %dma_start3A_62 = tpu.memref_squeeze %dma_start3A_61 : memref<1x50xi32, #tpu.memory_space<vmem>> -> memref<50xi32, #tpu.memory_space<vmem>>
    %dma_start3A_63 = arith.constant 0 : i32
    %dma_start3A_64 = arith.constant 0 : i32
    %dma_start3A_65 = tpu.memref_slice %arg5[%dma_start3A_63, %dma_start3A_64] : memref<1000x64xf32, #tpu.memory_space<vmem_shared>> -> memref<1000x64xf32, #tpu.memory_space<vmem_shared>>
    tpu.enqueue_indirect_dma source(%dma_start3A_65 : memref<1000x64xf32, #tpu.memory_space<vmem_shared>>) target(%dma_start3A_59 : memref<50x64xf32, #tpu.memory_space<vmem>>) offsets(%dma_start3A_62 : memref<50xi32, #tpu.memory_space<vmem>>) semaphore(%arg10 : memref<!tpu.dma_semaphore, #tpu.memory_space<semaphore_mem>>)
    %dma_start3A_66 = arith.constant 5 : i32
    %dma_start3A_67 = arith.constant 5 : i32
    %dma_start3A_68 = arith.constant 0 : i32
    %dma_start3A_69 = arith.constant 0 : i32
    %dma_start3A_70 = tpu.memref_slice %arg8[%dma_start3A_67, %dma_start3A_68, %dma_start3A_69] : memref<16x50x64xf32, #tpu.memory_space<vmem>> -> memref<1x50x64xf32, #tpu.memory_space<vmem>>
    %dma_start3A_71 = tpu.memref_squeeze %dma_start3A_70 : memref<1x50x64xf32, #tpu.memory_space<vmem>> -> memref<50x64xf32, #tpu.memory_space<vmem>>
    %dma_start3A_72 = arith.constant 0 : i32
    %dma_start3A_73 = tpu.memref_slice %arg6[%dma_start3A_66, %dma_start3A_72] : memref<16x50xi32, #tpu.memory_space<vmem>> -> memref<1x50xi32, #tpu.memory_space<vmem>>
    %dma_start3A_74 = tpu.memref_squeeze %dma_start3A_73 : memref<1x50xi32, #tpu.memory_space<vmem>> -> memref<50xi32, #tpu.memory_space<vmem>>
    %dma_start3A_75 = arith.constant 0 : i32
    %dma_start3A_76 = arith.constant 0 : i32
    %dma_start3A_77 = tpu.memref_slice %arg5[%dma_start3A_75, %dma_start3A_76] : memref<1000x64xf32, #tpu.memory_space<vmem_shared>> -> memref<1000x64xf32, #tpu.memory_space<vmem_shared>>
    tpu.enqueue_indirect_dma source(%dma_start3A_77 : memref<1000x64xf32, #tpu.memory_space<vmem_shared>>) target(%dma_start3A_71 : memref<50x64xf32, #tpu.memory_space<vmem>>) offsets(%dma_start3A_74 : memref<50xi32, #tpu.memory_space<vmem>>) semaphore(%arg10 : memref<!tpu.dma_semaphore, #tpu.memory_space<semaphore_mem>>)
    %dma_start3A_78 = arith.constant 6 : i32
    %dma_start3A_79 = arith.constant 6 : i32
    %dma_start3A_80 = arith.constant 0 : i32
    %dma_start3A_81 = arith.constant 0 : i32
    %dma_start3A_82 = tpu.memref_slice %arg8[%dma_start3A_79, %dma_start3A_80, %dma_start3A_81] : memref<16x50x64xf32, #tpu.memory_space<vmem>> -> memref<1x50x64xf32, #tpu.memory_space<vmem>>
    %dma_start3A_83 = tpu.memref_squeeze %dma_start3A_82 : memref<1x50x64xf32, #tpu.memory_space<vmem>> -> memref<50x64xf32, #tpu.memory_space<vmem>>
    %dma_start3A_84 = arith.constant 0 : i32
    %dma_start3A_85 = tpu.memref_slice %arg6[%dma_start3A_78, %dma_start3A_84] : memref<16x50xi32, #tpu.memory_space<vmem>> -> memref<1x50xi32, #tpu.memory_space<vmem>>
    %dma_start3A_86 = tpu.memref_squeeze %dma_start3A_85 : memref<1x50xi32, #tpu.memory_space<vmem>> -> memref<50xi32, #tpu.memory_space<vmem>>
    %dma_start3A_87 = arith.constant 0 : i32
    %dma_start3A_88 = arith.constant 0 : i32
    %dma_start3A_89 = tpu.memref_slice %arg5[%dma_start3A_87, %dma_start3A_88] : memref<1000x64xf32, #tpu.memory_space<vmem_shared>> -> memref<1000x64xf32, #tpu.memory_space<vmem_shared>>
    tpu.enqueue_indirect_dma source(%dma_start3A_89 : memref<1000x64xf32, #tpu.memory_space<vmem_shared>>) target(%dma_start3A_83 : memref<50x64xf32, #tpu.memory_space<vmem>>) offsets(%dma_start3A_86 : memref<50xi32, #tpu.memory_space<vmem>>) semaphore(%arg10 : memref<!tpu.dma_semaphore, #tpu.memory_space<semaphore_mem>>)
    %dma_start3A_90 = arith.constant 7 : i32
    %dma_start3A_91 = arith.constant 7 : i32
    %dma_start3A_92 = arith.constant 0 : i32
    %dma_start3A_93 = arith.constant 0 : i32
    %dma_start3A_94 = tpu.memref_slice %arg8[%dma_start3A_91, %dma_start3A_92, %dma_start3A_93] : memref<16x50x64xf32, #tpu.memory_space<vmem>> -> memref<1x50x64xf32, #tpu.memory_space<vmem>>
    %dma_start3A_95 = tpu.memref_squeeze %dma_start3A_94 : memref<1x50x64xf32, #tpu.memory_space<vmem>> -> memref<50x64xf32, #tpu.memory_space<vmem>>
    %dma_start3A_96 = arith.constant 0 : i32
    %dma_start3A_97 = tpu.memref_slice %arg6[%dma_start3A_90, %dma_start3A_96] : memref<16x50xi32, #tpu.memory_space<vmem>> -> memref<1x50xi32, #tpu.memory_space<vmem>>
    %dma_start3A_98 = tpu.memref_squeeze %dma_start3A_97 : memref<1x50xi32, #tpu.memory_space<vmem>> -> memref<50xi32, #tpu.memory_space<vmem>>
    %dma_start3A_99 = arith.constant 0 : i32
    %dma_start3A_100 = arith.constant 0 : i32
    %dma_start3A_101 = tpu.memref_slice %arg5[%dma_start3A_99, %dma_start3A_100] : memref<1000x64xf32, #tpu.memory_space<vmem_shared>> -> memref<1000x64xf32, #tpu.memory_space<vmem_shared>>
    tpu.enqueue_indirect_dma source(%dma_start3A_101 : memref<1000x64xf32, #tpu.memory_space<vmem_shared>>) target(%dma_start3A_95 : memref<50x64xf32, #tpu.memory_space<vmem>>) offsets(%dma_start3A_98 : memref<50xi32, #tpu.memory_space<vmem>>) semaphore(%arg10 : memref<!tpu.dma_semaphore, #tpu.memory_space<semaphore_mem>>)
    %dma_start3A_102 = arith.constant 8 : i32
    %dma_start3A_103 = arith.constant 8 : i32
    %dma_start3A_104 = arith.constant 0 : i32
    %dma_start3A_105 = arith.constant 0 : i32
    %dma_start3A_106 = tpu.memref_slice %arg8[%dma_start3A_103, %dma_start3A_104, %dma_start3A_105] : memref<16x50x64xf32, #tpu.memory_space<vmem>> -> memref<1x50x64xf32, #tpu.memory_space<vmem>>
    %dma_start3A_107 = tpu.memref_squeeze %dma_start3A_106 : memref<1x50x64xf32, #tpu.memory_space<vmem>> -> memref<50x64xf32, #tpu.memory_space<vmem>>
    %dma_start3A_108 = arith.constant 0 : i32
    %dma_start3A_109 = tpu.memref_slice %arg6[%dma_start3A_102, %dma_start3A_108] : memref<16x50xi32, #tpu.memory_space<vmem>> -> memref<1x50xi32, #tpu.memory_space<vmem>>
    %dma_start3A_110 = tpu.memref_squeeze %dma_start3A_109 : memref<1x50xi32, #tpu.memory_space<vmem>> -> memref<50xi32, #tpu.memory_space<vmem>>
    %dma_start3A_111 = arith.constant 0 : i32
    %dma_start3A_112 = arith.constant 0 : i32
    %dma_start3A_113 = tpu.memref_slice %arg5[%dma_start3A_111, %dma_start3A_112] : memref<1000x64xf32, #tpu.memory_space<vmem_shared>> -> memref<1000x64xf32, #tpu.memory_space<vmem_shared>>
    tpu.enqueue_indirect_dma source(%dma_start3A_113 : memref<1000x64xf32, #tpu.memory_space<vmem_shared>>) target(%dma_start3A_107 : memref<50x64xf32, #tpu.memory_space<vmem>>) offsets(%dma_start3A_110 : memref<50xi32, #tpu.memory_space<vmem>>) semaphore(%arg10 : memref<!tpu.dma_semaphore, #tpu.memory_space<semaphore_mem>>)
    %dma_start3A_114 = arith.constant 9 : i32
    %dma_start3A_115 = arith.constant 9 : i32
    %dma_start3A_116 = arith.constant 0 : i32
    %dma_start3A_117 = arith.constant 0 : i32
    %dma_start3A_118 = tpu.memref_slice %arg8[%dma_start3A_115, %dma_start3A_116, %dma_start3A_117] : memref<16x50x64xf32, #tpu.memory_space<vmem>> -> memref<1x50x64xf32, #tpu.memory_space<vmem>>
    %dma_start3A_119 = tpu.memref_squeeze %dma_start3A_118 : memref<1x50x64xf32, #tpu.memory_space<vmem>> -> memref<50x64xf32, #tpu.memory_space<vmem>>
    %dma_start3A_120 = arith.constant 0 : i32
    %dma_start3A_121 = tpu.memref_slice %arg6[%dma_start3A_114, %dma_start3A_120] : memref<16x50xi32, #tpu.memory_space<vmem>> -> memref<1x50xi32, #tpu.memory_space<vmem>>
    %dma_start3A_122 = tpu.memref_squeeze %dma_start3A_121 : memref<1x50xi32, #tpu.memory_space<vmem>> -> memref<50xi32, #tpu.memory_space<vmem>>
    %dma_start3A_123 = arith.constant 0 : i32
    %dma_start3A_124 = arith.constant 0 : i32
    %dma_start3A_125 = tpu.memref_slice %arg5[%dma_start3A_123, %dma_start3A_124] : memref<1000x64xf32, #tpu.memory_space<vmem_shared>> -> memref<1000x64xf32, #tpu.memory_space<vmem_shared>>
    tpu.enqueue_indirect_dma source(%dma_start3A_125 : memref<1000x64xf32, #tpu.memory_space<vmem_shared>>) target(%dma_start3A_119 : memref<50x64xf32, #tpu.memory_space<vmem>>) offsets(%dma_start3A_122 : memref<50xi32, #tpu.memory_space<vmem>>) semaphore(%arg10 : memref<!tpu.dma_semaphore, #tpu.memory_space<semaphore_mem>>)
    %dma_start3A_126 = arith.constant 10 : i32
    %dma_start3A_127 = arith.constant 10 : i32
    %dma_start3A_128 = arith.constant 0 : i32
    %dma_start3A_129 = arith.constant 0 : i32
    %dma_start3A_130 = tpu.memref_slice %arg8[%dma_start3A_127, %dma_start3A_128, %dma_start3A_129] : memref<16x50x64xf32, #tpu.memory_space<vmem>> -> memref<1x50x64xf32, #tpu.memory_space<vmem>>
    %dma_start3A_131 = tpu.memref_squeeze %dma_start3A_130 : memref<1x50x64xf32, #tpu.memory_space<vmem>> -> memref<50x64xf32, #tpu.memory_space<vmem>>
    %dma_start3A_132 = arith.constant 0 : i32
    %dma_start3A_133 = tpu.memref_slice %arg6[%dma_start3A_126, %dma_start3A_132] : memref<16x50xi32, #tpu.memory_space<vmem>> -> memref<1x50xi32, #tpu.memory_space<vmem>>
    %dma_start3A_134 = tpu.memref_squeeze %dma_start3A_133 : memref<1x50xi32, #tpu.memory_space<vmem>> -> memref<50xi32, #tpu.memory_space<vmem>>
    %dma_start3A_135 = arith.constant 0 : i32
    %dma_start3A_136 = arith.constant 0 : i32
    %dma_start3A_137 = tpu.memref_slice %arg5[%dma_start3A_135, %dma_start3A_136] : memref<1000x64xf32, #tpu.memory_space<vmem_shared>> -> memref<1000x64xf32, #tpu.memory_space<vmem_shared>>
    tpu.enqueue_indirect_dma source(%dma_start3A_137 : memref<1000x64xf32, #tpu.memory_space<vmem_shared>>) target(%dma_start3A_131 : memref<50x64xf32, #tpu.memory_space<vmem>>) offsets(%dma_start3A_134 : memref<50xi32, #tpu.memory_space<vmem>>) semaphore(%arg10 : memref<!tpu.dma_semaphore, #tpu.memory_space<semaphore_mem>>)
    %dma_start3A_138 = arith.constant 11 : i32
    %dma_start3A_139 = arith.constant 11 : i32
    %dma_start3A_140 = arith.constant 0 : i32
    %dma_start3A_141 = arith.constant 0 : i32
    %dma_start3A_142 = tpu.memref_slice %arg8[%dma_start3A_139, %dma_start3A_140, %dma_start3A_141] : memref<16x50x64xf32, #tpu.memory_space<vmem>> -> memref<1x50x64xf32, #tpu.memory_space<vmem>>
    %dma_start3A_143 = tpu.memref_squeeze %dma_start3A_142 : memref<1x50x64xf32, #tpu.memory_space<vmem>> -> memref<50x64xf32, #tpu.memory_space<vmem>>
    %dma_start3A_144 = arith.constant 0 : i32
    %dma_start3A_145 = tpu.memref_slice %arg6[%dma_start3A_138, %dma_start3A_144] : memref<16x50xi32, #tpu.memory_space<vmem>> -> memref<1x50xi32, #tpu.memory_space<vmem>>
    %dma_start3A_146 = tpu.memref_squeeze %dma_start3A_145 : memref<1x50xi32, #tpu.memory_space<vmem>> -> memref<50xi32, #tpu.memory_space<vmem>>
    %dma_start3A_147 = arith.constant 0 : i32
    %dma_start3A_148 = arith.constant 0 : i32
    %dma_start3A_149 = tpu.memref_slice %arg5[%dma_start3A_147, %dma_start3A_148] : memref<1000x64xf32, #tpu.memory_space<vmem_shared>> -> memref<1000x64xf32, #tpu.memory_space<vmem_shared>>
    tpu.enqueue_indirect_dma source(%dma_start3A_149 : memref<1000x64xf32, #tpu.memory_space<vmem_shared>>) target(%dma_start3A_143 : memref<50x64xf32, #tpu.memory_space<vmem>>) offsets(%dma_start3A_146 : memref<50xi32, #tpu.memory_space<vmem>>) semaphore(%arg10 : memref<!tpu.dma_semaphore, #tpu.memory_space<semaphore_mem>>)
    %dma_start3A_150 = arith.constant 12 : i32
    %dma_start3A_151 = arith.constant 12 : i32
    %dma_start3A_152 = arith.constant 0 : i32
    %dma_start3A_153 = arith.constant 0 : i32
    %dma_start3A_154 = tpu.memref_slice %arg8[%dma_start3A_151, %dma_start3A_152, %dma_start3A_153] : memref<16x50x64xf32, #tpu.memory_space<vmem>> -> memref<1x50x64xf32, #tpu.memory_space<vmem>>
    %dma_start3A_155 = tpu.memref_squeeze %dma_start3A_154 : memref<1x50x64xf32, #tpu.memory_space<vmem>> -> memref<50x64xf32, #tpu.memory_space<vmem>>
    %dma_start3A_156 = arith.constant 0 : i32
    %dma_start3A_157 = tpu.memref_slice %arg6[%dma_start3A_150, %dma_start3A_156] : memref<16x50xi32, #tpu.memory_space<vmem>> -> memref<1x50xi32, #tpu.memory_space<vmem>>
    %dma_start3A_158 = tpu.memref_squeeze %dma_start3A_157 : memref<1x50xi32, #tpu.memory_space<vmem>> -> memref<50xi32, #tpu.memory_space<vmem>>
    %dma_start3A_159 = arith.constant 0 : i32
    %dma_start3A_160 = arith.constant 0 : i32
    %dma_start3A_161 = tpu.memref_slice %arg5[%dma_start3A_159, %dma_start3A_160] : memref<1000x64xf32, #tpu.memory_space<vmem_shared>> -> memref<1000x64xf32, #tpu.memory_space<vmem_shared>>
    tpu.enqueue_indirect_dma source(%dma_start3A_161 : memref<1000x64xf32, #tpu.memory_space<vmem_shared>>) target(%dma_start3A_155 : memref<50x64xf32, #tpu.memory_space<vmem>>) offsets(%dma_start3A_158 : memref<50xi32, #tpu.memory_space<vmem>>) semaphore(%arg10 : memref<!tpu.dma_semaphore, #tpu.memory_space<semaphore_mem>>)
    %dma_start3A_162 = arith.constant 13 : i32
    %dma_start3A_163 = arith.constant 13 : i32
    %dma_start3A_164 = arith.constant 0 : i32
    %dma_start3A_165 = arith.constant 0 : i32
    %dma_start3A_166 = tpu.memref_slice %arg8[%dma_start3A_163, %dma_start3A_164, %dma_start3A_165] : memref<16x50x64xf32, #tpu.memory_space<vmem>> -> memref<1x50x64xf32, #tpu.memory_space<vmem>>
    %dma_start3A_167 = tpu.memref_squeeze %dma_start3A_166 : memref<1x50x64xf32, #tpu.memory_space<vmem>> -> memref<50x64xf32, #tpu.memory_space<vmem>>
    %dma_start3A_168 = arith.constant 0 : i32
    %dma_start3A_169 = tpu.memref_slice %arg6[%dma_start3A_162, %dma_start3A_168] : memref<16x50xi32, #tpu.memory_space<vmem>> -> memref<1x50xi32, #tpu.memory_space<vmem>>
    %dma_start3A_170 = tpu.memref_squeeze %dma_start3A_169 : memref<1x50xi32, #tpu.memory_space<vmem>> -> memref<50xi32, #tpu.memory_space<vmem>>
    %dma_start3A_171 = arith.constant 0 : i32
    %dma_start3A_172 = arith.constant 0 : i32
    %dma_start3A_173 = tpu.memref_slice %arg5[%dma_start3A_171, %dma_start3A_172] : memref<1000x64xf32, #tpu.memory_space<vmem_shared>> -> memref<1000x64xf32, #tpu.memory_space<vmem_shared>>
    tpu.enqueue_indirect_dma source(%dma_start3A_173 : memref<1000x64xf32, #tpu.memory_space<vmem_shared>>) target(%dma_start3A_167 : memref<50x64xf32, #tpu.memory_space<vmem>>) offsets(%dma_start3A_170 : memref<50xi32, #tpu.memory_space<vmem>>) semaphore(%arg10 : memref<!tpu.dma_semaphore, #tpu.memory_space<semaphore_mem>>)
    %dma_start3A_174 = arith.constant 14 : i32
    %dma_start3A_175 = arith.constant 14 : i32
    %dma_start3A_176 = arith.constant 0 : i32
    %dma_start3A_177 = arith.constant 0 : i32
    %dma_start3A_178 = tpu.memref_slice %arg8[%dma_start3A_175, %dma_start3A_176, %dma_start3A_177] : memref<16x50x64xf32, #tpu.memory_space<vmem>> -> memref<1x50x64xf32, #tpu.memory_space<vmem>>
    %dma_start3A_179 = tpu.memref_squeeze %dma_start3A_178 : memref<1x50x64xf32, #tpu.memory_space<vmem>> -> memref<50x64xf32, #tpu.memory_space<vmem>>
    %dma_start3A_180 = arith.constant 0 : i32
    %dma_start3A_181 = tpu.memref_slice %arg6[%dma_start3A_174, %dma_start3A_180] : memref<16x50xi32, #tpu.memory_space<vmem>> -> memref<1x50xi32, #tpu.memory_space<vmem>>
    %dma_start3A_182 = tpu.memref_squeeze %dma_start3A_181 : memref<1x50xi32, #tpu.memory_space<vmem>> -> memref<50xi32, #tpu.memory_space<vmem>>
    %dma_start3A_183 = arith.constant 0 : i32
    %dma_start3A_184 = arith.constant 0 : i32
    %dma_start3A_185 = tpu.memref_slice %arg5[%dma_start3A_183, %dma_start3A_184] : memref<1000x64xf32, #tpu.memory_space<vmem_shared>> -> memref<1000x64xf32, #tpu.memory_space<vmem_shared>>
    tpu.enqueue_indirect_dma source(%dma_start3A_185 : memref<1000x64xf32, #tpu.memory_space<vmem_shared>>) target(%dma_start3A_179 : memref<50x64xf32, #tpu.memory_space<vmem>>) offsets(%dma_start3A_182 : memref<50xi32, #tpu.memory_space<vmem>>) semaphore(%arg10 : memref<!tpu.dma_semaphore, #tpu.memory_space<semaphore_mem>>)
    %dma_start3A_186 = arith.constant 15 : i32
    %dma_start3A_187 = arith.constant 15 : i32
    %dma_start3A_188 = arith.constant 0 : i32
    %dma_start3A_189 = arith.constant 0 : i32
    %dma_start3A_190 = tpu.memref_slice %arg8[%dma_start3A_187, %dma_start3A_188, %dma_start3A_189] : memref<16x50x64xf32, #tpu.memory_space<vmem>> -> memref<1x50x64xf32, #tpu.memory_space<vmem>>
    %dma_start3A_191 = tpu.memref_squeeze %dma_start3A_190 : memref<1x50x64xf32, #tpu.memory_space<vmem>> -> memref<50x64xf32, #tpu.memory_space<vmem>>
    %dma_start3A_192 = arith.constant 0 : i32
    %dma_start3A_193 = tpu.memref_slice %arg6[%dma_start3A_186, %dma_start3A_192] : memref<16x50xi32, #tpu.memory_space<vmem>> -> memref<1x50xi32, #tpu.memory_space<vmem>>
    %dma_start3A_194 = tpu.memref_squeeze %dma_start3A_193 : memref<1x50xi32, #tpu.memory_space<vmem>> -> memref<50xi32, #tpu.memory_space<vmem>>
    %dma_start3A_195 = arith.constant 0 : i32
    %dma_start3A_196 = arith.constant 0 : i32
    %dma_start3A_197 = tpu.memref_slice %arg5[%dma_start3A_195, %dma_start3A_196] : memref<1000x64xf32, #tpu.memory_space<vmem_shared>> -> memref<1000x64xf32, #tpu.memory_space<vmem_shared>>
    tpu.enqueue_indirect_dma source(%dma_start3A_197 : memref<1000x64xf32, #tpu.memory_space<vmem_shared>>) target(%dma_start3A_191 : memref<50x64xf32, #tpu.memory_space<vmem>>) offsets(%dma_start3A_194 : memref<50xi32, #tpu.memory_space<vmem>>) semaphore(%arg10 : memref<!tpu.dma_semaphore, #tpu.memory_space<semaphore_mem>>)
    %scan3A = arith.constant 0 : i32
    %scan3A_198 = arith.constant 0 : i32
    %scan3A_199 = arith.constant 16 : i32
    %scan3A_200 = arith.addi %scan3A_198, %scan3A_199 : i32
    %scan3A_201 = arith.constant 1 : i32
    %scan3A_202 = scf.for %scan3A_219 = %scan3A_198 to %scan3A_200 step %scan3A_201 iter_args(%scan3A_220 = %scan3A) -> (i32)  : i32 {
      %mul3A_221 = arith.constant 2 : i32
      %mul3A_222 = arith.muli %mul3A_221, %scan3A_219 : i32
      %add3A_223 = arith.constant 1 : i32
      %add3A_224 = arith.addi %mul3A_222, %add3A_223 : i32
      %gt3A = arith.constant 0 : i32
      %gt3A_225 = arith.cmpi sgt, %scan3A_219, %gt3A : i32
      %convert_element_type3A_226 = arith.extui %gt3A_225 : i1 to i32
      %cond3A_227 = arith.constant 0 : i32
      %cond3A_228 = arith.cmpi ne, %convert_element_type3A_226, %cond3A_227 : i32
      scf.if %cond3A_228 {
        %sub3A = arith.constant 1 : i32
        %sub3A_463 = arith.subi %mul3A_222, %sub3A : i32
        %mul3A_464 = arith.constant 16 : i32
        %mul3A_465 = arith.muli %sub3A_463, %mul3A_464 : i32
        %add3A_466 = arith.addi %mul3A_2, %mul3A_465 : i32
        %dma_wait3A_467 = arith.constant 0 : i32
        %dma_wait3A_468 = arith.constant 0 : i32
        %dma_wait3A_469 = tpu.memref_slice %arg4[%add3A_466, %dma_wait3A_467, %dma_wait3A_468] : memref<16384x50x64xf32, #tpu.memory_space<hbm>> -> memref<16x50x64xf32, #tpu.memory_space<hbm>>
        %dma_wait3A_470 = arith.constant 0 : i32
        %dma_wait3A_471 = arith.constant 0 : i32
        %dma_wait3A_472 = tpu.memref_slice %arg4[%add3A_466, %dma_wait3A_470, %dma_wait3A_471] : memref<16384x50x64xf32, #tpu.memory_space<hbm>> -> memref<16x50x64xf32, #tpu.memory_space<hbm>>
        tpu.wait_dma2 semaphore(%arg13 : memref<!tpu.dma_semaphore, #tpu.memory_space<semaphore_mem>>) src(%arg9 : memref<16x50x64xf32, #tpu.memory_space<vmem>>) dst(%dma_wait3A_472 : memref<16x50x64xf32, #tpu.memory_space<hbm>>)
      } else {
      }
      %mul3A_229 = arith.constant 16 : i32
      %mul3A_230 = arith.muli %add3A_224, %mul3A_229 : i32
      %add3A_231 = arith.addi %mul3A_2, %mul3A_230 : i32
      "tpu.region"() ({
        %run_scoped3A = tpu.sem_alloc : memref<!tpu.dma_semaphore, #tpu.memory_space<semaphore_mem>>
        %dma_start3A_463 = arith.constant 0 : i32
        %dma_start3A_464 = tpu.memref_slice %arg3[%add3A_231, %dma_start3A_463] : memref<16384x50xi32, #tpu.memory_space<hbm>> -> memref<16x50xi32, #tpu.memory_space<hbm>>
        %dma_start3A_465 = arith.constant 0 : i32
        %dma_start3A_466 = tpu.memref_slice %arg3[%add3A_231, %dma_start3A_465] : memref<16384x50xi32, #tpu.memory_space<hbm>> -> memref<16x50xi32, #tpu.memory_space<hbm>>
        tpu.enqueue_dma source(%dma_start3A_466 : memref<16x50xi32, #tpu.memory_space<hbm>>) target(%arg7 : memref<16x50xi32, #tpu.memory_space<vmem>>) target_semaphore(%run_scoped3A : memref<!tpu.dma_semaphore, #tpu.memory_space<semaphore_mem>>)
        %dma_wait3A_467 = arith.constant 0 : i32
        %dma_wait3A_468 = tpu.memref_slice %arg3[%add3A_231, %dma_wait3A_467] : memref<16384x50xi32, #tpu.memory_space<hbm>> -> memref<16x50xi32, #tpu.memory_space<hbm>>
        %dma_wait3A_469 = arith.constant 0 : i32
        %dma_wait3A_470 = tpu.memref_slice %arg3[%add3A_231, %dma_wait3A_469] : memref<16384x50xi32, #tpu.memory_space<hbm>> -> memref<16x50xi32, #tpu.memory_space<hbm>>
        tpu.wait_dma2 semaphore(%run_scoped3A : memref<!tpu.dma_semaphore, #tpu.memory_space<semaphore_mem>>) src(%dma_wait3A_470 : memref<16x50xi32, #tpu.memory_space<hbm>>) dst(%arg7 : memref<16x50xi32, #tpu.memory_space<vmem>>)
        tpu.yield
      }) : () -> ()
      %dma_start3A_232 = arith.constant 0 : i32
      %dma_start3A_233 = arith.constant 0 : i32
      %dma_start3A_234 = arith.constant 0 : i32
      %dma_start3A_235 = arith.constant 0 : i32
      %dma_start3A_236 = tpu.memref_slice %arg9[%dma_start3A_233, %dma_start3A_234, %dma_start3A_235] : memref<16x50x64xf32, #tpu.memory_space<vmem>> -> memref<1x50x64xf32, #tpu.memory_space<vmem>>
      %dma_start3A_237 = tpu.memref_squeeze %dma_start3A_236 : memref<1x50x64xf32, #tpu.memory_space<vmem>> -> memref<50x64xf32, #tpu.memory_space<vmem>>
      %dma_start3A_238 = arith.constant 0 : i32
      %dma_start3A_239 = tpu.memref_slice %arg7[%dma_start3A_232, %dma_start3A_238] : memref<16x50xi32, #tpu.memory_space<vmem>> -> memref<1x50xi32, #tpu.memory_space<vmem>>
      %dma_start3A_240 = tpu.memref_squeeze %dma_start3A_239 : memref<1x50xi32, #tpu.memory_space<vmem>> -> memref<50xi32, #tpu.memory_space<vmem>>
      %dma_start3A_241 = arith.constant 0 : i32
      %dma_start3A_242 = arith.constant 0 : i32
      %dma_start3A_243 = tpu.memref_slice %arg5[%dma_start3A_241, %dma_start3A_242] : memref<1000x64xf32, #tpu.memory_space<vmem_shared>> -> memref<1000x64xf32, #tpu.memory_space<vmem_shared>>
      tpu.enqueue_indirect_dma source(%dma_start3A_243 : memref<1000x64xf32, #tpu.memory_space<vmem_shared>>) target(%dma_start3A_237 : memref<50x64xf32, #tpu.memory_space<vmem>>) offsets(%dma_start3A_240 : memref<50xi32, #tpu.memory_space<vmem>>) semaphore(%arg11 : memref<!tpu.dma_semaphore, #tpu.memory_space<semaphore_mem>>)
      %dma_start3A_244 = arith.constant 1 : i32
      %dma_start3A_245 = arith.constant 1 : i32
      %dma_start3A_246 = arith.constant 0 : i32
      %dma_start3A_247 = arith.constant 0 : i32
      %dma_start3A_248 = tpu.memref_slice %arg9[%dma_start3A_245, %dma_start3A_246, %dma_start3A_247] : memref<16x50x64xf32, #tpu.memory_space<vmem>> -> memref<1x50x64xf32, #tpu.memory_space<vmem>>
      %dma_start3A_249 = tpu.memref_squeeze %dma_start3A_248 : memref<1x50x64xf32, #tpu.memory_space<vmem>> -> memref<50x64xf32, #tpu.memory_space<vmem>>
      %dma_start3A_250 = arith.constant 0 : i32
      %dma_start3A_251 = tpu.memref_slice %arg7[%dma_start3A_244, %dma_start3A_250] : memref<16x50xi32, #tpu.memory_space<vmem>> -> memref<1x50xi32, #tpu.memory_space<vmem>>
      %dma_start3A_252 = tpu.memref_squeeze %dma_start3A_251 : memref<1x50xi32, #tpu.memory_space<vmem>> -> memref<50xi32, #tpu.memory_space<vmem>>
      %dma_start3A_253 = arith.constant 0 : i32
      %dma_start3A_254 = arith.constant 0 : i32
      %dma_start3A_255 = tpu.memref_slice %arg5[%dma_start3A_253, %dma_start3A_254] : memref<1000x64xf32, #tpu.memory_space<vmem_shared>> -> memref<1000x64xf32, #tpu.memory_space<vmem_shared>>
      tpu.enqueue_indirect_dma source(%dma_start3A_255 : memref<1000x64xf32, #tpu.memory_space<vmem_shared>>) target(%dma_start3A_249 : memref<50x64xf32, #tpu.memory_space<vmem>>) offsets(%dma_start3A_252 : memref<50xi32, #tpu.memory_space<vmem>>) semaphore(%arg11 : memref<!tpu.dma_semaphore, #tpu.memory_space<semaphore_mem>>)
      %dma_start3A_256 = arith.constant 2 : i32
      %dma_start3A_257 = arith.constant 2 : i32
      %dma_start3A_258 = arith.constant 0 : i32
      %dma_start3A_259 = arith.constant 0 : i32
      %dma_start3A_260 = tpu.memref_slice %arg9[%dma_start3A_257, %dma_start3A_258, %dma_start3A_259] : memref<16x50x64xf32, #tpu.memory_space<vmem>> -> memref<1x50x64xf32, #tpu.memory_space<vmem>>
      %dma_start3A_261 = tpu.memref_squeeze %dma_start3A_260 : memref<1x50x64xf32, #tpu.memory_space<vmem>> -> memref<50x64xf32, #tpu.memory_space<vmem>>
      %dma_start3A_262 = arith.constant 0 : i32
      %dma_start3A_263 = tpu.memref_slice %arg7[%dma_start3A_256, %dma_start3A_262] : memref<16x50xi32, #tpu.memory_space<vmem>> -> memref<1x50xi32, #tpu.memory_space<vmem>>
      %dma_start3A_264 = tpu.memref_squeeze %dma_start3A_263 : memref<1x50xi32, #tpu.memory_space<vmem>> -> memref<50xi32, #tpu.memory_space<vmem>>
      %dma_start3A_265 = arith.constant 0 : i32
      %dma_start3A_266 = arith.constant 0 : i32
      %dma_start3A_267 = tpu.memref_slice %arg5[%dma_start3A_265, %dma_start3A_266] : memref<1000x64xf32, #tpu.memory_space<vmem_shared>> -> memref<1000x64xf32, #tpu.memory_space<vmem_shared>>
      tpu.enqueue_indirect_dma source(%dma_start3A_267 : memref<1000x64xf32, #tpu.memory_space<vmem_shared>>) target(%dma_start3A_261 : memref<50x64xf32, #tpu.memory_space<vmem>>) offsets(%dma_start3A_264 : memref<50xi32, #tpu.memory_space<vmem>>) semaphore(%arg11 : memref<!tpu.dma_semaphore, #tpu.memory_space<semaphore_mem>>)
      %dma_start3A_268 = arith.constant 3 : i32
      %dma_start3A_269 = arith.constant 3 : i32
      %dma_start3A_270 = arith.constant 0 : i32
      %dma_start3A_271 = arith.constant 0 : i32
      %dma_start3A_272 = tpu.memref_slice %arg9[%dma_start3A_269, %dma_start3A_270, %dma_start3A_271] : memref<16x50x64xf32, #tpu.memory_space<vmem>> -> memref<1x50x64xf32, #tpu.memory_space<vmem>>
      %dma_start3A_273 = tpu.memref_squeeze %dma_start3A_272 : memref<1x50x64xf32, #tpu.memory_space<vmem>> -> memref<50x64xf32, #tpu.memory_space<vmem>>
      %dma_start3A_274 = arith.constant 0 : i32
      %dma_start3A_275 = tpu.memref_slice %arg7[%dma_start3A_268, %dma_start3A_274] : memref<16x50xi32, #tpu.memory_space<vmem>> -> memref<1x50xi32, #tpu.memory_space<vmem>>
      %dma_start3A_276 = tpu.memref_squeeze %dma_start3A_275 : memref<1x50xi32, #tpu.memory_space<vmem>> -> memref<50xi32, #tpu.memory_space<vmem>>
      %dma_start3A_277 = arith.constant 0 : i32
      %dma_start3A_278 = arith.constant 0 : i32
      %dma_start3A_279 = tpu.memref_slice %arg5[%dma_start3A_277, %dma_start3A_278] : memref<1000x64xf32, #tpu.memory_space<vmem_shared>> -> memref<1000x64xf32, #tpu.memory_space<vmem_shared>>
      tpu.enqueue_indirect_dma source(%dma_start3A_279 : memref<1000x64xf32, #tpu.memory_space<vmem_shared>>) target(%dma_start3A_273 : memref<50x64xf32, #tpu.memory_space<vmem>>) offsets(%dma_start3A_276 : memref<50xi32, #tpu.memory_space<vmem>>) semaphore(%arg11 : memref<!tpu.dma_semaphore, #tpu.memory_space<semaphore_mem>>)
      %dma_start3A_280 = arith.constant 4 : i32
      %dma_start3A_281 = arith.constant 4 : i32
      %dma_start3A_282 = arith.constant 0 : i32
      %dma_start3A_283 = arith.constant 0 : i32
      %dma_start3A_284 = tpu.memref_slice %arg9[%dma_start3A_281, %dma_start3A_282, %dma_start3A_283] : memref<16x50x64xf32, #tpu.memory_space<vmem>> -> memref<1x50x64xf32, #tpu.memory_space<vmem>>
      %dma_start3A_285 = tpu.memref_squeeze %dma_start3A_284 : memref<1x50x64xf32, #tpu.memory_space<vmem>> -> memref<50x64xf32, #tpu.memory_space<vmem>>
      %dma_start3A_286 = arith.constant 0 : i32
      %dma_start3A_287 = tpu.memref_slice %arg7[%dma_start3A_280, %dma_start3A_286] : memref<16x50xi32, #tpu.memory_space<vmem>> -> memref<1x50xi32, #tpu.memory_space<vmem>>
      %dma_start3A_288 = tpu.memref_squeeze %dma_start3A_287 : memref<1x50xi32, #tpu.memory_space<vmem>> -> memref<50xi32, #tpu.memory_space<vmem>>
      %dma_start3A_289 = arith.constant 0 : i32
      %dma_start3A_290 = arith.constant 0 : i32
      %dma_start3A_291 = tpu.memref_slice %arg5[%dma_start3A_289, %dma_start3A_290] : memref<1000x64xf32, #tpu.memory_space<vmem_shared>> -> memref<1000x64xf32, #tpu.memory_space<vmem_shared>>
      tpu.enqueue_indirect_dma source(%dma_start3A_291 : memref<1000x64xf32, #tpu.memory_space<vmem_shared>>) target(%dma_start3A_285 : memref<50x64xf32, #tpu.memory_space<vmem>>) offsets(%dma_start3A_288 : memref<50xi32, #tpu.memory_space<vmem>>) semaphore(%arg11 : memref<!tpu.dma_semaphore, #tpu.memory_space<semaphore_mem>>)
      %dma_start3A_292 = arith.constant 5 : i32
      %dma_start3A_293 = arith.constant 5 : i32
      %dma_start3A_294 = arith.constant 0 : i32
      %dma_start3A_295 = arith.constant 0 : i32
      %dma_start3A_296 = tpu.memref_slice %arg9[%dma_start3A_293, %dma_start3A_294, %dma_start3A_295] : memref<16x50x64xf32, #tpu.memory_space<vmem>> -> memref<1x50x64xf32, #tpu.memory_space<vmem>>
      %dma_start3A_297 = tpu.memref_squeeze %dma_start3A_296 : memref<1x50x64xf32, #tpu.memory_space<vmem>> -> memref<50x64xf32, #tpu.memory_space<vmem>>
      %dma_start3A_298 = arith.constant 0 : i32
      %dma_start3A_299 = tpu.memref_slice %arg7[%dma_start3A_292, %dma_start3A_298] : memref<16x50xi32, #tpu.memory_space<vmem>> -> memref<1x50xi32, #tpu.memory_space<vmem>>
      %dma_start3A_300 = tpu.memref_squeeze %dma_start3A_299 : memref<1x50xi32, #tpu.memory_space<vmem>> -> memref<50xi32, #tpu.memory_space<vmem>>
      %dma_start3A_301 = arith.constant 0 : i32
      %dma_start3A_302 = arith.constant 0 : i32
      %dma_start3A_303 = tpu.memref_slice %arg5[%dma_start3A_301, %dma_start3A_302] : memref<1000x64xf32, #tpu.memory_space<vmem_shared>> -> memref<1000x64xf32, #tpu.memory_space<vmem_shared>>
      tpu.enqueue_indirect_dma source(%dma_start3A_303 : memref<1000x64xf32, #tpu.memory_space<vmem_shared>>) target(%dma_start3A_297 : memref<50x64xf32, #tpu.memory_space<vmem>>) offsets(%dma_start3A_300 : memref<50xi32, #tpu.memory_space<vmem>>) semaphore(%arg11 : memref<!tpu.dma_semaphore, #tpu.memory_space<semaphore_mem>>)
      %dma_start3A_304 = arith.constant 6 : i32
      %dma_start3A_305 = arith.constant 6 : i32
      %dma_start3A_306 = arith.constant 0 : i32
      %dma_start3A_307 = arith.constant 0 : i32
      %dma_start3A_308 = tpu.memref_slice %arg9[%dma_start3A_305, %dma_start3A_306, %dma_start3A_307] : memref<16x50x64xf32, #tpu.memory_space<vmem>> -> memref<1x50x64xf32, #tpu.memory_space<vmem>>
      %dma_start3A_309 = tpu.memref_squeeze %dma_start3A_308 : memref<1x50x64xf32, #tpu.memory_space<vmem>> -> memref<50x64xf32, #tpu.memory_space<vmem>>
      %dma_start3A_310 = arith.constant 0 : i32
      %dma_start3A_311 = tpu.memref_slice %arg7[%dma_start3A_304, %dma_start3A_310] : memref<16x50xi32, #tpu.memory_space<vmem>> -> memref<1x50xi32, #tpu.memory_space<vmem>>
      %dma_start3A_312 = tpu.memref_squeeze %dma_start3A_311 : memref<1x50xi32, #tpu.memory_space<vmem>> -> memref<50xi32, #tpu.memory_space<vmem>>
      %dma_start3A_313 = arith.constant 0 : i32
      %dma_start3A_314 = arith.constant 0 : i32
      %dma_start3A_315 = tpu.memref_slice %arg5[%dma_start3A_313, %dma_start3A_314] : memref<1000x64xf32, #tpu.memory_space<vmem_shared>> -> memref<1000x64xf32, #tpu.memory_space<vmem_shared>>
      tpu.enqueue_indirect_dma source(%dma_start3A_315 : memref<1000x64xf32, #tpu.memory_space<vmem_shared>>) target(%dma_start3A_309 : memref<50x64xf32, #tpu.memory_space<vmem>>) offsets(%dma_start3A_312 : memref<50xi32, #tpu.memory_space<vmem>>) semaphore(%arg11 : memref<!tpu.dma_semaphore, #tpu.memory_space<semaphore_mem>>)
      %dma_start3A_316 = arith.constant 7 : i32
      %dma_start3A_317 = arith.constant 7 : i32
      %dma_start3A_318 = arith.constant 0 : i32
      %dma_start3A_319 = arith.constant 0 : i32
      %dma_start3A_320 = tpu.memref_slice %arg9[%dma_start3A_317, %dma_start3A_318, %dma_start3A_319] : memref<16x50x64xf32, #tpu.memory_space<vmem>> -> memref<1x50x64xf32, #tpu.memory_space<vmem>>
      %dma_start3A_321 = tpu.memref_squeeze %dma_start3A_320 : memref<1x50x64xf32, #tpu.memory_space<vmem>> -> memref<50x64xf32, #tpu.memory_space<vmem>>
      %dma_start3A_322 = arith.constant 0 : i32
      %dma_start3A_323 = tpu.memref_slice %arg7[%dma_start3A_316, %dma_start3A_322] : memref<16x50xi32, #tpu.memory_space<vmem>> -> memref<1x50xi32, #tpu.memory_space<vmem>>
      %dma_start3A_324 = tpu.memref_squeeze %dma_start3A_323 : memref<1x50xi32, #tpu.memory_space<vmem>> -> memref<50xi32, #tpu.memory_space<vmem>>
      %dma_start3A_325 = arith.constant 0 : i32
      %dma_start3A_326 = arith.constant 0 : i32
      %dma_start3A_327 = tpu.memref_slice %arg5[%dma_start3A_325, %dma_start3A_326] : memref<1000x64xf32, #tpu.memory_space<vmem_shared>> -> memref<1000x64xf32, #tpu.memory_space<vmem_shared>>
      tpu.enqueue_indirect_dma source(%dma_start3A_327 : memref<1000x64xf32, #tpu.memory_space<vmem_shared>>) target(%dma_start3A_321 : memref<50x64xf32, #tpu.memory_space<vmem>>) offsets(%dma_start3A_324 : memref<50xi32, #tpu.memory_space<vmem>>) semaphore(%arg11 : memref<!tpu.dma_semaphore, #tpu.memory_space<semaphore_mem>>)
      %dma_start3A_328 = arith.constant 8 : i32
      %dma_start3A_329 = arith.constant 8 : i32
      %dma_start3A_330 = arith.constant 0 : i32
      %dma_start3A_331 = arith.constant 0 : i32
      %dma_start3A_332 = tpu.memref_slice %arg9[%dma_start3A_329, %dma_start3A_330, %dma_start3A_331] : memref<16x50x64xf32, #tpu.memory_space<vmem>> -> memref<1x50x64xf32, #tpu.memory_space<vmem>>
      %dma_start3A_333 = tpu.memref_squeeze %dma_start3A_332 : memref<1x50x64xf32, #tpu.memory_space<vmem>> -> memref<50x64xf32, #tpu.memory_space<vmem>>
      %dma_start3A_334 = arith.constant 0 : i32
      %dma_start3A_335 = tpu.memref_slice %arg7[%dma_start3A_328, %dma_start3A_334] : memref<16x50xi32, #tpu.memory_space<vmem>> -> memref<1x50xi32, #tpu.memory_space<vmem>>
      %dma_start3A_336 = tpu.memref_squeeze %dma_start3A_335 : memref<1x50xi32, #tpu.memory_space<vmem>> -> memref<50xi32, #tpu.memory_space<vmem>>
      %dma_start3A_337 = arith.constant 0 : i32
      %dma_start3A_338 = arith.constant 0 : i32
      %dma_start3A_339 = tpu.memref_slice %arg5[%dma_start3A_337, %dma_start3A_338] : memref<1000x64xf32, #tpu.memory_space<vmem_shared>> -> memref<1000x64xf32, #tpu.memory_space<vmem_shared>>
      tpu.enqueue_indirect_dma source(%dma_start3A_339 : memref<1000x64xf32, #tpu.memory_space<vmem_shared>>) target(%dma_start3A_333 : memref<50x64xf32, #tpu.memory_space<vmem>>) offsets(%dma_start3A_336 : memref<50xi32, #tpu.memory_space<vmem>>) semaphore(%arg11 : memref<!tpu.dma_semaphore, #tpu.memory_space<semaphore_mem>>)
      %dma_start3A_340 = arith.constant 9 : i32
      %dma_start3A_341 = arith.constant 9 : i32
      %dma_start3A_342 = arith.constant 0 : i32
      %dma_start3A_343 = arith.constant 0 : i32
      %dma_start3A_344 = tpu.memref_slice %arg9[%dma_start3A_341, %dma_start3A_342, %dma_start3A_343] : memref<16x50x64xf32, #tpu.memory_space<vmem>> -> memref<1x50x64xf32, #tpu.memory_space<vmem>>
      %dma_start3A_345 = tpu.memref_squeeze %dma_start3A_344 : memref<1x50x64xf32, #tpu.memory_space<vmem>> -> memref<50x64xf32, #tpu.memory_space<vmem>>
      %dma_start3A_346 = arith.constant 0 : i32
      %dma_start3A_347 = tpu.memref_slice %arg7[%dma_start3A_340, %dma_start3A_346] : memref<16x50xi32, #tpu.memory_space<vmem>> -> memref<1x50xi32, #tpu.memory_space<vmem>>
      %dma_start3A_348 = tpu.memref_squeeze %dma_start3A_347 : memref<1x50xi32, #tpu.memory_space<vmem>> -> memref<50xi32, #tpu.memory_space<vmem>>
      %dma_start3A_349 = arith.constant 0 : i32
      %dma_start3A_350 = arith.constant 0 : i32
      %dma_start3A_351 = tpu.memref_slice %arg5[%dma_start3A_349, %dma_start3A_350] : memref<1000x64xf32, #tpu.memory_space<vmem_shared>> -> memref<1000x64xf32, #tpu.memory_space<vmem_shared>>
      tpu.enqueue_indirect_dma source(%dma_start3A_351 : memref<1000x64xf32, #tpu.memory_space<vmem_shared>>) target(%dma_start3A_345 : memref<50x64xf32, #tpu.memory_space<vmem>>) offsets(%dma_start3A_348 : memref<50xi32, #tpu.memory_space<vmem>>) semaphore(%arg11 : memref<!tpu.dma_semaphore, #tpu.memory_space<semaphore_mem>>)
      %dma_start3A_352 = arith.constant 10 : i32
      %dma_start3A_353 = arith.constant 10 : i32
      %dma_start3A_354 = arith.constant 0 : i32
      %dma_start3A_355 = arith.constant 0 : i32
      %dma_start3A_356 = tpu.memref_slice %arg9[%dma_start3A_353, %dma_start3A_354, %dma_start3A_355] : memref<16x50x64xf32, #tpu.memory_space<vmem>> -> memref<1x50x64xf32, #tpu.memory_space<vmem>>
      %dma_start3A_357 = tpu.memref_squeeze %dma_start3A_356 : memref<1x50x64xf32, #tpu.memory_space<vmem>> -> memref<50x64xf32, #tpu.memory_space<vmem>>
      %dma_start3A_358 = arith.constant 0 : i32
      %dma_start3A_359 = tpu.memref_slice %arg7[%dma_start3A_352, %dma_start3A_358] : memref<16x50xi32, #tpu.memory_space<vmem>> -> memref<1x50xi32, #tpu.memory_space<vmem>>
      %dma_start3A_360 = tpu.memref_squeeze %dma_start3A_359 : memref<1x50xi32, #tpu.memory_space<vmem>> -> memref<50xi32, #tpu.memory_space<vmem>>
      %dma_start3A_361 = arith.constant 0 : i32
      %dma_start3A_362 = arith.constant 0 : i32
      %dma_start3A_363 = tpu.memref_slice %arg5[%dma_start3A_361, %dma_start3A_362] : memref<1000x64xf32, #tpu.memory_space<vmem_shared>> -> memref<1000x64xf32, #tpu.memory_space<vmem_shared>>
      tpu.enqueue_indirect_dma source(%dma_start3A_363 : memref<1000x64xf32, #tpu.memory_space<vmem_shared>>) target(%dma_start3A_357 : memref<50x64xf32, #tpu.memory_space<vmem>>) offsets(%dma_start3A_360 : memref<50xi32, #tpu.memory_space<vmem>>) semaphore(%arg11 : memref<!tpu.dma_semaphore, #tpu.memory_space<semaphore_mem>>)
      %dma_start3A_364 = arith.constant 11 : i32
      %dma_start3A_365 = arith.constant 11 : i32
      %dma_start3A_366 = arith.constant 0 : i32
      %dma_start3A_367 = arith.constant 0 : i32
      %dma_start3A_368 = tpu.memref_slice %arg9[%dma_start3A_365, %dma_start3A_366, %dma_start3A_367] : memref<16x50x64xf32, #tpu.memory_space<vmem>> -> memref<1x50x64xf32, #tpu.memory_space<vmem>>
      %dma_start3A_369 = tpu.memref_squeeze %dma_start3A_368 : memref<1x50x64xf32, #tpu.memory_space<vmem>> -> memref<50x64xf32, #tpu.memory_space<vmem>>
      %dma_start3A_370 = arith.constant 0 : i32
      %dma_start3A_371 = tpu.memref_slice %arg7[%dma_start3A_364, %dma_start3A_370] : memref<16x50xi32, #tpu.memory_space<vmem>> -> memref<1x50xi32, #tpu.memory_space<vmem>>
      %dma_start3A_372 = tpu.memref_squeeze %dma_start3A_371 : memref<1x50xi32, #tpu.memory_space<vmem>> -> memref<50xi32, #tpu.memory_space<vmem>>
      %dma_start3A_373 = arith.constant 0 : i32
      %dma_start3A_374 = arith.constant 0 : i32
      %dma_start3A_375 = tpu.memref_slice %arg5[%dma_start3A_373, %dma_start3A_374] : memref<1000x64xf32, #tpu.memory_space<vmem_shared>> -> memref<1000x64xf32, #tpu.memory_space<vmem_shared>>
      tpu.enqueue_indirect_dma source(%dma_start3A_375 : memref<1000x64xf32, #tpu.memory_space<vmem_shared>>) target(%dma_start3A_369 : memref<50x64xf32, #tpu.memory_space<vmem>>) offsets(%dma_start3A_372 : memref<50xi32, #tpu.memory_space<vmem>>) semaphore(%arg11 : memref<!tpu.dma_semaphore, #tpu.memory_space<semaphore_mem>>)
      %dma_start3A_376 = arith.constant 12 : i32
      %dma_start3A_377 = arith.constant 12 : i32
      %dma_start3A_378 = arith.constant 0 : i32
      %dma_start3A_379 = arith.constant 0 : i32
      %dma_start3A_380 = tpu.memref_slice %arg9[%dma_start3A_377, %dma_start3A_378, %dma_start3A_379] : memref<16x50x64xf32, #tpu.memory_space<vmem>> -> memref<1x50x64xf32, #tpu.memory_space<vmem>>
      %dma_start3A_381 = tpu.memref_squeeze %dma_start3A_380 : memref<1x50x64xf32, #tpu.memory_space<vmem>> -> memref<50x64xf32, #tpu.memory_space<vmem>>
      %dma_start3A_382 = arith.constant 0 : i32
      %dma_start3A_383 = tpu.memref_slice %arg7[%dma_start3A_376, %dma_start3A_382] : memref<16x50xi32, #tpu.memory_space<vmem>> -> memref<1x50xi32, #tpu.memory_space<vmem>>
      %dma_start3A_384 = tpu.memref_squeeze %dma_start3A_383 : memref<1x50xi32, #tpu.memory_space<vmem>> -> memref<50xi32, #tpu.memory_space<vmem>>
      %dma_start3A_385 = arith.constant 0 : i32
      %dma_start3A_386 = arith.constant 0 : i32
      %dma_start3A_387 = tpu.memref_slice %arg5[%dma_start3A_385, %dma_start3A_386] : memref<1000x64xf32, #tpu.memory_space<vmem_shared>> -> memref<1000x64xf32, #tpu.memory_space<vmem_shared>>
      tpu.enqueue_indirect_dma source(%dma_start3A_387 : memref<1000x64xf32, #tpu.memory_space<vmem_shared>>) target(%dma_start3A_381 : memref<50x64xf32, #tpu.memory_space<vmem>>) offsets(%dma_start3A_384 : memref<50xi32, #tpu.memory_space<vmem>>) semaphore(%arg11 : memref<!tpu.dma_semaphore, #tpu.memory_space<semaphore_mem>>)
      %dma_start3A_388 = arith.constant 13 : i32
      %dma_start3A_389 = arith.constant 13 : i32
      %dma_start3A_390 = arith.constant 0 : i32
      %dma_start3A_391 = arith.constant 0 : i32
      %dma_start3A_392 = tpu.memref_slice %arg9[%dma_start3A_389, %dma_start3A_390, %dma_start3A_391] : memref<16x50x64xf32, #tpu.memory_space<vmem>> -> memref<1x50x64xf32, #tpu.memory_space<vmem>>
      %dma_start3A_393 = tpu.memref_squeeze %dma_start3A_392 : memref<1x50x64xf32, #tpu.memory_space<vmem>> -> memref<50x64xf32, #tpu.memory_space<vmem>>
      %dma_start3A_394 = arith.constant 0 : i32
      %dma_start3A_395 = tpu.memref_slice %arg7[%dma_start3A_388, %dma_start3A_394] : memref<16x50xi32, #tpu.memory_space<vmem>> -> memref<1x50xi32, #tpu.memory_space<vmem>>
      %dma_start3A_396 = tpu.memref_squeeze %dma_start3A_395 : memref<1x50xi32, #tpu.memory_space<vmem>> -> memref<50xi32, #tpu.memory_space<vmem>>
      %dma_start3A_397 = arith.constant 0 : i32
      %dma_start3A_398 = arith.constant 0 : i32
      %dma_start3A_399 = tpu.memref_slice %arg5[%dma_start3A_397, %dma_start3A_398] : memref<1000x64xf32, #tpu.memory_space<vmem_shared>> -> memref<1000x64xf32, #tpu.memory_space<vmem_shared>>
      tpu.enqueue_indirect_dma source(%dma_start3A_399 : memref<1000x64xf32, #tpu.memory_space<vmem_shared>>) target(%dma_start3A_393 : memref<50x64xf32, #tpu.memory_space<vmem>>) offsets(%dma_start3A_396 : memref<50xi32, #tpu.memory_space<vmem>>) semaphore(%arg11 : memref<!tpu.dma_semaphore, #tpu.memory_space<semaphore_mem>>)
      %dma_start3A_400 = arith.constant 14 : i32
      %dma_start3A_401 = arith.constant 14 : i32
      %dma_start3A_402 = arith.constant 0 : i32
      %dma_start3A_403 = arith.constant 0 : i32
      %dma_start3A_404 = tpu.memref_slice %arg9[%dma_start3A_401, %dma_start3A_402, %dma_start3A_403] : memref<16x50x64xf32, #tpu.memory_space<vmem>> -> memref<1x50x64xf32, #tpu.memory_space<vmem>>
      %dma_start3A_405 = tpu.memref_squeeze %dma_start3A_404 : memref<1x50x64xf32, #tpu.memory_space<vmem>> -> memref<50x64xf32, #tpu.memory_space<vmem>>
      %dma_start3A_406 = arith.constant 0 : i32
      %dma_start3A_407 = tpu.memref_slice %arg7[%dma_start3A_400, %dma_start3A_406] : memref<16x50xi32, #tpu.memory_space<vmem>> -> memref<1x50xi32, #tpu.memory_space<vmem>>
      %dma_start3A_408 = tpu.memref_squeeze %dma_start3A_407 : memref<1x50xi32, #tpu.memory_space<vmem>> -> memref<50xi32, #tpu.memory_space<vmem>>
      %dma_start3A_409 = arith.constant 0 : i32
      %dma_start3A_410 = arith.constant 0 : i32
      %dma_start3A_411 = tpu.memref_slice %arg5[%dma_start3A_409, %dma_start3A_410] : memref<1000x64xf32, #tpu.memory_space<vmem_shared>> -> memref<1000x64xf32, #tpu.memory_space<vmem_shared>>
      tpu.enqueue_indirect_dma source(%dma_start3A_411 : memref<1000x64xf32, #tpu.memory_space<vmem_shared>>) target(%dma_start3A_405 : memref<50x64xf32, #tpu.memory_space<vmem>>) offsets(%dma_start3A_408 : memref<50xi32, #tpu.memory_space<vmem>>) semaphore(%arg11 : memref<!tpu.dma_semaphore, #tpu.memory_space<semaphore_mem>>)
      %dma_start3A_412 = arith.constant 15 : i32
      %dma_start3A_413 = arith.constant 15 : i32
      %dma_start3A_414 = arith.constant 0 : i32
      %dma_start3A_415 = arith.constant 0 : i32
      %dma_start3A_416 = tpu.memref_slice %arg9[%dma_start3A_413, %dma_start3A_414, %dma_start3A_415] : memref<16x50x64xf32, #tpu.memory_space<vmem>> -> memref<1x50x64xf32, #tpu.memory_space<vmem>>
      %dma_start3A_417 = tpu.memref_squeeze %dma_start3A_416 : memref<1x50x64xf32, #tpu.memory_space<vmem>> -> memref<50x64xf32, #tpu.memory_space<vmem>>
      %dma_start3A_418 = arith.constant 0 : i32
      %dma_start3A_419 = tpu.memref_slice %arg7[%dma_start3A_412, %dma_start3A_418] : memref<16x50xi32, #tpu.memory_space<vmem>> -> memref<1x50xi32, #tpu.memory_space<vmem>>
      %dma_start3A_420 = tpu.memref_squeeze %dma_start3A_419 : memref<1x50xi32, #tpu.memory_space<vmem>> -> memref<50xi32, #tpu.memory_space<vmem>>
      %dma_start3A_421 = arith.constant 0 : i32
      %dma_start3A_422 = arith.constant 0 : i32
      %dma_start3A_423 = tpu.memref_slice %arg5[%dma_start3A_421, %dma_start3A_422] : memref<1000x64xf32, #tpu.memory_space<vmem_shared>> -> memref<1000x64xf32, #tpu.memory_space<vmem_shared>>
      tpu.enqueue_indirect_dma source(%dma_start3A_423 : memref<1000x64xf32, #tpu.memory_space<vmem_shared>>) target(%dma_start3A_417 : memref<50x64xf32, #tpu.memory_space<vmem>>) offsets(%dma_start3A_420 : memref<50xi32, #tpu.memory_space<vmem>>) semaphore(%arg11 : memref<!tpu.dma_semaphore, #tpu.memory_space<semaphore_mem>>)
      %dma_wait3A_424 = arith.constant 0 : i32
      %dma_wait3A_425 = arith.constant 0 : i32
      %dma_wait3A_426 = arith.constant 0 : i32
      %dma_wait3A_427 = tpu.memref_slice %arg4[%dma_wait3A_424, %dma_wait3A_425, %dma_wait3A_426] : memref<16384x50x64xf32, #tpu.memory_space<hbm>> -> memref<16x50x64xf32, #tpu.memory_space<hbm>>
      %dma_wait3A_428 = arith.constant 0 : i32
      %dma_wait3A_429 = arith.constant 0 : i32
      %dma_wait3A_430 = arith.constant 0 : i32
      %dma_wait3A_431 = tpu.memref_slice %arg4[%dma_wait3A_428, %dma_wait3A_429, %dma_wait3A_430] : memref<16384x50x64xf32, #tpu.memory_space<hbm>> -> memref<16x50x64xf32, #tpu.memory_space<hbm>>
      tpu.wait_dma2 semaphore(%arg10 : memref<!tpu.dma_semaphore, #tpu.memory_space<semaphore_mem>>) src(%dma_wait3A_431 : memref<16x50x64xf32, #tpu.memory_space<hbm>>) dst(%arg8 : memref<16x50x64xf32, #tpu.memory_space<vmem>>)
      %mul3A_432 = arith.constant 16 : i32
      %mul3A_433 = arith.muli %mul3A_222, %mul3A_432 : i32
      %add3A_434 = arith.addi %mul3A_2, %mul3A_433 : i32
      %dma_start3A_435 = arith.constant 0 : i32
      %dma_start3A_436 = arith.constant 0 : i32
      %dma_start3A_437 = tpu.memref_slice %arg4[%add3A_434, %dma_start3A_435, %dma_start3A_436] : memref<16384x50x64xf32, #tpu.memory_space<hbm>> -> memref<16x50x64xf32, #tpu.memory_space<hbm>>
      %dma_start3A_438 = arith.constant 0 : i32
      %dma_start3A_439 = arith.constant 0 : i32
      %dma_start3A_440 = tpu.memref_slice %arg4[%add3A_434, %dma_start3A_438, %dma_start3A_439] : memref<16384x50x64xf32, #tpu.memory_space<hbm>> -> memref<16x50x64xf32, #tpu.memory_space<hbm>>
      tpu.enqueue_dma source(%arg8 : memref<16x50x64xf32, #tpu.memory_space<vmem>>) target(%dma_start3A_440 : memref<16x50x64xf32, #tpu.memory_space<hbm>>) target_semaphore(%arg12 : memref<!tpu.dma_semaphore, #tpu.memory_space<semaphore_mem>>)
      %lt3A = arith.constant 15 : i32
      %lt3A_441 = arith.cmpi slt, %scan3A_219, %lt3A : i32
      %convert_element_type3A_442 = arith.extui %lt3A_441 : i1 to i32
      %cond3A_443 = arith.constant 0 : i32
      %cond3A_444 = arith.cmpi ne, %convert_element_type3A_442, %cond3A_443 : i32
      scf.if %cond3A_444 {
        %mul3A_463 = arith.constant 16 : i32
        %mul3A_464 = arith.muli %mul3A_222, %mul3A_463 : i32
        %add3A_465 = arith.addi %mul3A_2, %mul3A_464 : i32
        %dma_wait3A_466 = arith.constant 0 : i32
        %dma_wait3A_467 = arith.constant 0 : i32
        %dma_wait3A_468 = tpu.memref_slice %arg4[%add3A_465, %dma_wait3A_466, %dma_wait3A_467] : memref<16384x50x64xf32, #tpu.memory_space<hbm>> -> memref<16x50x64xf32, #tpu.memory_space<hbm>>
        %dma_wait3A_469 = arith.constant 0 : i32
        %dma_wait3A_470 = arith.constant 0 : i32
        %dma_wait3A_471 = tpu.memref_slice %arg4[%add3A_465, %dma_wait3A_469, %dma_wait3A_470] : memref<16384x50x64xf32, #tpu.memory_space<hbm>> -> memref<16x50x64xf32, #tpu.memory_space<hbm>>
        tpu.wait_dma2 semaphore(%arg12 : memref<!tpu.dma_semaphore, #tpu.memory_space<semaphore_mem>>) src(%arg8 : memref<16x50x64xf32, #tpu.memory_space<vmem>>) dst(%dma_wait3A_471 : memref<16x50x64xf32, #tpu.memory_space<hbm>>)
        %add3A_472 = arith.constant 2 : i32
        %add3A_473 = arith.addi %mul3A_222, %add3A_472 : i32
        %mul3A_474 = arith.constant 16 : i32
        %mul3A_475 = arith.muli %add3A_473, %mul3A_474 : i32
        %add3A_476 = arith.addi %mul3A_2, %mul3A_475 : i32
        "tpu.region"() ({
          %run_scoped3A = tpu.sem_alloc : memref<!tpu.dma_semaphore, #tpu.memory_space<semaphore_mem>>
          %dma_start3A_669 = arith.constant 0 : i32
          %dma_start3A_670 = tpu.memref_slice %arg3[%add3A_476, %dma_start3A_669] : memref<16384x50xi32, #tpu.memory_space<hbm>> -> memref<16x50xi32, #tpu.memory_space<hbm>>
          %dma_start3A_671 = arith.constant 0 : i32
          %dma_start3A_672 = tpu.memref_slice %arg3[%add3A_476, %dma_start3A_671] : memref<16384x50xi32, #tpu.memory_space<hbm>> -> memref<16x50xi32, #tpu.memory_space<hbm>>
          tpu.enqueue_dma source(%dma_start3A_672 : memref<16x50xi32, #tpu.memory_space<hbm>>) target(%arg6 : memref<16x50xi32, #tpu.memory_space<vmem>>) target_semaphore(%run_scoped3A : memref<!tpu.dma_semaphore, #tpu.memory_space<semaphore_mem>>)
          %dma_wait3A_673 = arith.constant 0 : i32
          %dma_wait3A_674 = tpu.memref_slice %arg3[%add3A_476, %dma_wait3A_673] : memref<16384x50xi32, #tpu.memory_space<hbm>> -> memref<16x50xi32, #tpu.memory_space<hbm>>
          %dma_wait3A_675 = arith.constant 0 : i32
          %dma_wait3A_676 = tpu.memref_slice %arg3[%add3A_476, %dma_wait3A_675] : memref<16384x50xi32, #tpu.memory_space<hbm>> -> memref<16x50xi32, #tpu.memory_space<hbm>>
          tpu.wait_dma2 semaphore(%run_scoped3A : memref<!tpu.dma_semaphore, #tpu.memory_space<semaphore_mem>>) src(%dma_wait3A_676 : memref<16x50xi32, #tpu.memory_space<hbm>>) dst(%arg6 : memref<16x50xi32, #tpu.memory_space<vmem>>)
          tpu.yield
        }) : () -> ()
        %dma_start3A_477 = arith.constant 0 : i32
        %dma_start3A_478 = arith.constant 0 : i32
        %dma_start3A_479 = arith.constant 0 : i32
        %dma_start3A_480 = arith.constant 0 : i32
        %dma_start3A_481 = tpu.memref_slice %arg8[%dma_start3A_478, %dma_start3A_479, %dma_start3A_480] : memref<16x50x64xf32, #tpu.memory_space<vmem>> -> memref<1x50x64xf32, #tpu.memory_space<vmem>>
        %dma_start3A_482 = tpu.memref_squeeze %dma_start3A_481 : memref<1x50x64xf32, #tpu.memory_space<vmem>> -> memref<50x64xf32, #tpu.memory_space<vmem>>
        %dma_start3A_483 = arith.constant 0 : i32
        %dma_start3A_484 = tpu.memref_slice %arg6[%dma_start3A_477, %dma_start3A_483] : memref<16x50xi32, #tpu.memory_space<vmem>> -> memref<1x50xi32, #tpu.memory_space<vmem>>
        %dma_start3A_485 = tpu.memref_squeeze %dma_start3A_484 : memref<1x50xi32, #tpu.memory_space<vmem>> -> memref<50xi32, #tpu.memory_space<vmem>>
        %dma_start3A_486 = arith.constant 0 : i32
        %dma_start3A_487 = arith.constant 0 : i32
        %dma_start3A_488 = tpu.memref_slice %arg5[%dma_start3A_486, %dma_start3A_487] : memref<1000x64xf32, #tpu.memory_space<vmem_shared>> -> memref<1000x64xf32, #tpu.memory_space<vmem_shared>>
        tpu.enqueue_indirect_dma source(%dma_start3A_488 : memref<1000x64xf32, #tpu.memory_space<vmem_shared>>) target(%dma_start3A_482 : memref<50x64xf32, #tpu.memory_space<vmem>>) offsets(%dma_start3A_485 : memref<50xi32, #tpu.memory_space<vmem>>) semaphore(%arg10 : memref<!tpu.dma_semaphore, #tpu.memory_space<semaphore_mem>>)
        %dma_start3A_489 = arith.constant 1 : i32
        %dma_start3A_490 = arith.constant 1 : i32
        %dma_start3A_491 = arith.constant 0 : i32
        %dma_start3A_492 = arith.constant 0 : i32
        %dma_start3A_493 = tpu.memref_slice %arg8[%dma_start3A_490, %dma_start3A_491, %dma_start3A_492] : memref<16x50x64xf32, #tpu.memory_space<vmem>> -> memref<1x50x64xf32, #tpu.memory_space<vmem>>
        %dma_start3A_494 = tpu.memref_squeeze %dma_start3A_493 : memref<1x50x64xf32, #tpu.memory_space<vmem>> -> memref<50x64xf32, #tpu.memory_space<vmem>>
        %dma_start3A_495 = arith.constant 0 : i32
        %dma_start3A_496 = tpu.memref_slice %arg6[%dma_start3A_489, %dma_start3A_495] : memref<16x50xi32, #tpu.memory_space<vmem>> -> memref<1x50xi32, #tpu.memory_space<vmem>>
        %dma_start3A_497 = tpu.memref_squeeze %dma_start3A_496 : memref<1x50xi32, #tpu.memory_space<vmem>> -> memref<50xi32, #tpu.memory_space<vmem>>
        %dma_start3A_498 = arith.constant 0 : i32
        %dma_start3A_499 = arith.constant 0 : i32
        %dma_start3A_500 = tpu.memref_slice %arg5[%dma_start3A_498, %dma_start3A_499] : memref<1000x64xf32, #tpu.memory_space<vmem_shared>> -> memref<1000x64xf32, #tpu.memory_space<vmem_shared>>
        tpu.enqueue_indirect_dma source(%dma_start3A_500 : memref<1000x64xf32, #tpu.memory_space<vmem_shared>>) target(%dma_start3A_494 : memref<50x64xf32, #tpu.memory_space<vmem>>) offsets(%dma_start3A_497 : memref<50xi32, #tpu.memory_space<vmem>>) semaphore(%arg10 : memref<!tpu.dma_semaphore, #tpu.memory_space<semaphore_mem>>)
        %dma_start3A_501 = arith.constant 2 : i32
        %dma_start3A_502 = arith.constant 2 : i32
        %dma_start3A_503 = arith.constant 0 : i32
        %dma_start3A_504 = arith.constant 0 : i32
        %dma_start3A_505 = tpu.memref_slice %arg8[%dma_start3A_502, %dma_start3A_503, %dma_start3A_504] : memref<16x50x64xf32, #tpu.memory_space<vmem>> -> memref<1x50x64xf32, #tpu.memory_space<vmem>>
        %dma_start3A_506 = tpu.memref_squeeze %dma_start3A_505 : memref<1x50x64xf32, #tpu.memory_space<vmem>> -> memref<50x64xf32, #tpu.memory_space<vmem>>
        %dma_start3A_507 = arith.constant 0 : i32
        %dma_start3A_508 = tpu.memref_slice %arg6[%dma_start3A_501, %dma_start3A_507] : memref<16x50xi32, #tpu.memory_space<vmem>> -> memref<1x50xi32, #tpu.memory_space<vmem>>
        %dma_start3A_509 = tpu.memref_squeeze %dma_start3A_508 : memref<1x50xi32, #tpu.memory_space<vmem>> -> memref<50xi32, #tpu.memory_space<vmem>>
        %dma_start3A_510 = arith.constant 0 : i32
        %dma_start3A_511 = arith.constant 0 : i32
        %dma_start3A_512 = tpu.memref_slice %arg5[%dma_start3A_510, %dma_start3A_511] : memref<1000x64xf32, #tpu.memory_space<vmem_shared>> -> memref<1000x64xf32, #tpu.memory_space<vmem_shared>>
        tpu.enqueue_indirect_dma source(%dma_start3A_512 : memref<1000x64xf32, #tpu.memory_space<vmem_shared>>) target(%dma_start3A_506 : memref<50x64xf32, #tpu.memory_space<vmem>>) offsets(%dma_start3A_509 : memref<50xi32, #tpu.memory_space<vmem>>) semaphore(%arg10 : memref<!tpu.dma_semaphore, #tpu.memory_space<semaphore_mem>>)
        %dma_start3A_513 = arith.constant 3 : i32
        %dma_start3A_514 = arith.constant 3 : i32
        %dma_start3A_515 = arith.constant 0 : i32
        %dma_start3A_516 = arith.constant 0 : i32
        %dma_start3A_517 = tpu.memref_slice %arg8[%dma_start3A_514, %dma_start3A_515, %dma_start3A_516] : memref<16x50x64xf32, #tpu.memory_space<vmem>> -> memref<1x50x64xf32, #tpu.memory_space<vmem>>
        %dma_start3A_518 = tpu.memref_squeeze %dma_start3A_517 : memref<1x50x64xf32, #tpu.memory_space<vmem>> -> memref<50x64xf32, #tpu.memory_space<vmem>>
        %dma_start3A_519 = arith.constant 0 : i32
        %dma_start3A_520 = tpu.memref_slice %arg6[%dma_start3A_513, %dma_start3A_519] : memref<16x50xi32, #tpu.memory_space<vmem>> -> memref<1x50xi32, #tpu.memory_space<vmem>>
        %dma_start3A_521 = tpu.memref_squeeze %dma_start3A_520 : memref<1x50xi32, #tpu.memory_space<vmem>> -> memref<50xi32, #tpu.memory_space<vmem>>
        %dma_start3A_522 = arith.constant 0 : i32
        %dma_start3A_523 = arith.constant 0 : i32
        %dma_start3A_524 = tpu.memref_slice %arg5[%dma_start3A_522, %dma_start3A_523] : memref<1000x64xf32, #tpu.memory_space<vmem_shared>> -> memref<1000x64xf32, #tpu.memory_space<vmem_shared>>
        tpu.enqueue_indirect_dma source(%dma_start3A_524 : memref<1000x64xf32, #tpu.memory_space<vmem_shared>>) target(%dma_start3A_518 : memref<50x64xf32, #tpu.memory_space<vmem>>) offsets(%dma_start3A_521 : memref<50xi32, #tpu.memory_space<vmem>>) semaphore(%arg10 : memref<!tpu.dma_semaphore, #tpu.memory_space<semaphore_mem>>)
        %dma_start3A_525 = arith.constant 4 : i32
        %dma_start3A_526 = arith.constant 4 : i32
        %dma_start3A_527 = arith.constant 0 : i32
        %dma_start3A_528 = arith.constant 0 : i32
        %dma_start3A_529 = tpu.memref_slice %arg8[%dma_start3A_526, %dma_start3A_527, %dma_start3A_528] : memref<16x50x64xf32, #tpu.memory_space<vmem>> -> memref<1x50x64xf32, #tpu.memory_space<vmem>>
        %dma_start3A_530 = tpu.memref_squeeze %dma_start3A_529 : memref<1x50x64xf32, #tpu.memory_space<vmem>> -> memref<50x64xf32, #tpu.memory_space<vmem>>
        %dma_start3A_531 = arith.constant 0 : i32
        %dma_start3A_532 = tpu.memref_slice %arg6[%dma_start3A_525, %dma_start3A_531] : memref<16x50xi32, #tpu.memory_space<vmem>> -> memref<1x50xi32, #tpu.memory_space<vmem>>
        %dma_start3A_533 = tpu.memref_squeeze %dma_start3A_532 : memref<1x50xi32, #tpu.memory_space<vmem>> -> memref<50xi32, #tpu.memory_space<vmem>>
        %dma_start3A_534 = arith.constant 0 : i32
        %dma_start3A_535 = arith.constant 0 : i32
        %dma_start3A_536 = tpu.memref_slice %arg5[%dma_start3A_534, %dma_start3A_535] : memref<1000x64xf32, #tpu.memory_space<vmem_shared>> -> memref<1000x64xf32, #tpu.memory_space<vmem_shared>>
        tpu.enqueue_indirect_dma source(%dma_start3A_536 : memref<1000x64xf32, #tpu.memory_space<vmem_shared>>) target(%dma_start3A_530 : memref<50x64xf32, #tpu.memory_space<vmem>>) offsets(%dma_start3A_533 : memref<50xi32, #tpu.memory_space<vmem>>) semaphore(%arg10 : memref<!tpu.dma_semaphore, #tpu.memory_space<semaphore_mem>>)
        %dma_start3A_537 = arith.constant 5 : i32
        %dma_start3A_538 = arith.constant 5 : i32
        %dma_start3A_539 = arith.constant 0 : i32
        %dma_start3A_540 = arith.constant 0 : i32
        %dma_start3A_541 = tpu.memref_slice %arg8[%dma_start3A_538, %dma_start3A_539, %dma_start3A_540] : memref<16x50x64xf32, #tpu.memory_space<vmem>> -> memref<1x50x64xf32, #tpu.memory_space<vmem>>
        %dma_start3A_542 = tpu.memref_squeeze %dma_start3A_541 : memref<1x50x64xf32, #tpu.memory_space<vmem>> -> memref<50x64xf32, #tpu.memory_space<vmem>>
        %dma_start3A_543 = arith.constant 0 : i32
        %dma_start3A_544 = tpu.memref_slice %arg6[%dma_start3A_537, %dma_start3A_543] : memref<16x50xi32, #tpu.memory_space<vmem>> -> memref<1x50xi32, #tpu.memory_space<vmem>>
        %dma_start3A_545 = tpu.memref_squeeze %dma_start3A_544 : memref<1x50xi32, #tpu.memory_space<vmem>> -> memref<50xi32, #tpu.memory_space<vmem>>
        %dma_start3A_546 = arith.constant 0 : i32
        %dma_start3A_547 = arith.constant 0 : i32
        %dma_start3A_548 = tpu.memref_slice %arg5[%dma_start3A_546, %dma_start3A_547] : memref<1000x64xf32, #tpu.memory_space<vmem_shared>> -> memref<1000x64xf32, #tpu.memory_space<vmem_shared>>
        tpu.enqueue_indirect_dma source(%dma_start3A_548 : memref<1000x64xf32, #tpu.memory_space<vmem_shared>>) target(%dma_start3A_542 : memref<50x64xf32, #tpu.memory_space<vmem>>) offsets(%dma_start3A_545 : memref<50xi32, #tpu.memory_space<vmem>>) semaphore(%arg10 : memref<!tpu.dma_semaphore, #tpu.memory_space<semaphore_mem>>)
        %dma_start3A_549 = arith.constant 6 : i32
        %dma_start3A_550 = arith.constant 6 : i32
        %dma_start3A_551 = arith.constant 0 : i32
        %dma_start3A_552 = arith.constant 0 : i32
        %dma_start3A_553 = tpu.memref_slice %arg8[%dma_start3A_550, %dma_start3A_551, %dma_start3A_552] : memref<16x50x64xf32, #tpu.memory_space<vmem>> -> memref<1x50x64xf32, #tpu.memory_space<vmem>>
        %dma_start3A_554 = tpu.memref_squeeze %dma_start3A_553 : memref<1x50x64xf32, #tpu.memory_space<vmem>> -> memref<50x64xf32, #tpu.memory_space<vmem>>
        %dma_start3A_555 = arith.constant 0 : i32
        %dma_start3A_556 = tpu.memref_slice %arg6[%dma_start3A_549, %dma_start3A_555] : memref<16x50xi32, #tpu.memory_space<vmem>> -> memref<1x50xi32, #tpu.memory_space<vmem>>
        %dma_start3A_557 = tpu.memref_squeeze %dma_start3A_556 : memref<1x50xi32, #tpu.memory_space<vmem>> -> memref<50xi32, #tpu.memory_space<vmem>>
        %dma_start3A_558 = arith.constant 0 : i32
        %dma_start3A_559 = arith.constant 0 : i32
        %dma_start3A_560 = tpu.memref_slice %arg5[%dma_start3A_558, %dma_start3A_559] : memref<1000x64xf32, #tpu.memory_space<vmem_shared>> -> memref<1000x64xf32, #tpu.memory_space<vmem_shared>>
        tpu.enqueue_indirect_dma source(%dma_start3A_560 : memref<1000x64xf32, #tpu.memory_space<vmem_shared>>) target(%dma_start3A_554 : memref<50x64xf32, #tpu.memory_space<vmem>>) offsets(%dma_start3A_557 : memref<50xi32, #tpu.memory_space<vmem>>) semaphore(%arg10 : memref<!tpu.dma_semaphore, #tpu.memory_space<semaphore_mem>>)
        %dma_start3A_561 = arith.constant 7 : i32
        %dma_start3A_562 = arith.constant 7 : i32
        %dma_start3A_563 = arith.constant 0 : i32
        %dma_start3A_564 = arith.constant 0 : i32
        %dma_start3A_565 = tpu.memref_slice %arg8[%dma_start3A_562, %dma_start3A_563, %dma_start3A_564] : memref<16x50x64xf32, #tpu.memory_space<vmem>> -> memref<1x50x64xf32, #tpu.memory_space<vmem>>
        %dma_start3A_566 = tpu.memref_squeeze %dma_start3A_565 : memref<1x50x64xf32, #tpu.memory_space<vmem>> -> memref<50x64xf32, #tpu.memory_space<vmem>>
        %dma_start3A_567 = arith.constant 0 : i32
        %dma_start3A_568 = tpu.memref_slice %arg6[%dma_start3A_561, %dma_start3A_567] : memref<16x50xi32, #tpu.memory_space<vmem>> -> memref<1x50xi32, #tpu.memory_space<vmem>>
        %dma_start3A_569 = tpu.memref_squeeze %dma_start3A_568 : memref<1x50xi32, #tpu.memory_space<vmem>> -> memref<50xi32, #tpu.memory_space<vmem>>
        %dma_start3A_570 = arith.constant 0 : i32
        %dma_start3A_571 = arith.constant 0 : i32
        %dma_start3A_572 = tpu.memref_slice %arg5[%dma_start3A_570, %dma_start3A_571] : memref<1000x64xf32, #tpu.memory_space<vmem_shared>> -> memref<1000x64xf32, #tpu.memory_space<vmem_shared>>
        tpu.enqueue_indirect_dma source(%dma_start3A_572 : memref<1000x64xf32, #tpu.memory_space<vmem_shared>>) target(%dma_start3A_566 : memref<50x64xf32, #tpu.memory_space<vmem>>) offsets(%dma_start3A_569 : memref<50xi32, #tpu.memory_space<vmem>>) semaphore(%arg10 : memref<!tpu.dma_semaphore, #tpu.memory_space<semaphore_mem>>)
        %dma_start3A_573 = arith.constant 8 : i32
        %dma_start3A_574 = arith.constant 8 : i32
        %dma_start3A_575 = arith.constant 0 : i32
        %dma_start3A_576 = arith.constant 0 : i32
        %dma_start3A_577 = tpu.memref_slice %arg8[%dma_start3A_574, %dma_start3A_575, %dma_start3A_576] : memref<16x50x64xf32, #tpu.memory_space<vmem>> -> memref<1x50x64xf32, #tpu.memory_space<vmem>>
        %dma_start3A_578 = tpu.memref_squeeze %dma_start3A_577 : memref<1x50x64xf32, #tpu.memory_space<vmem>> -> memref<50x64xf32, #tpu.memory_space<vmem>>
        %dma_start3A_579 = arith.constant 0 : i32
        %dma_start3A_580 = tpu.memref_slice %arg6[%dma_start3A_573, %dma_start3A_579] : memref<16x50xi32, #tpu.memory_space<vmem>> -> memref<1x50xi32, #tpu.memory_space<vmem>>
        %dma_start3A_581 = tpu.memref_squeeze %dma_start3A_580 : memref<1x50xi32, #tpu.memory_space<vmem>> -> memref<50xi32, #tpu.memory_space<vmem>>
        %dma_start3A_582 = arith.constant 0 : i32
        %dma_start3A_583 = arith.constant 0 : i32
        %dma_start3A_584 = tpu.memref_slice %arg5[%dma_start3A_582, %dma_start3A_583] : memref<1000x64xf32, #tpu.memory_space<vmem_shared>> -> memref<1000x64xf32, #tpu.memory_space<vmem_shared>>
        tpu.enqueue_indirect_dma source(%dma_start3A_584 : memref<1000x64xf32, #tpu.memory_space<vmem_shared>>) target(%dma_start3A_578 : memref<50x64xf32, #tpu.memory_space<vmem>>) offsets(%dma_start3A_581 : memref<50xi32, #tpu.memory_space<vmem>>) semaphore(%arg10 : memref<!tpu.dma_semaphore, #tpu.memory_space<semaphore_mem>>)
        %dma_start3A_585 = arith.constant 9 : i32
        %dma_start3A_586 = arith.constant 9 : i32
        %dma_start3A_587 = arith.constant 0 : i32
        %dma_start3A_588 = arith.constant 0 : i32
        %dma_start3A_589 = tpu.memref_slice %arg8[%dma_start3A_586, %dma_start3A_587, %dma_start3A_588] : memref<16x50x64xf32, #tpu.memory_space<vmem>> -> memref<1x50x64xf32, #tpu.memory_space<vmem>>
        %dma_start3A_590 = tpu.memref_squeeze %dma_start3A_589 : memref<1x50x64xf32, #tpu.memory_space<vmem>> -> memref<50x64xf32, #tpu.memory_space<vmem>>
        %dma_start3A_591 = arith.constant 0 : i32
        %dma_start3A_592 = tpu.memref_slice %arg6[%dma_start3A_585, %dma_start3A_591] : memref<16x50xi32, #tpu.memory_space<vmem>> -> memref<1x50xi32, #tpu.memory_space<vmem>>
        %dma_start3A_593 = tpu.memref_squeeze %dma_start3A_592 : memref<1x50xi32, #tpu.memory_space<vmem>> -> memref<50xi32, #tpu.memory_space<vmem>>
        %dma_start3A_594 = arith.constant 0 : i32
        %dma_start3A_595 = arith.constant 0 : i32
        %dma_start3A_596 = tpu.memref_slice %arg5[%dma_start3A_594, %dma_start3A_595] : memref<1000x64xf32, #tpu.memory_space<vmem_shared>> -> memref<1000x64xf32, #tpu.memory_space<vmem_shared>>
        tpu.enqueue_indirect_dma source(%dma_start3A_596 : memref<1000x64xf32, #tpu.memory_space<vmem_shared>>) target(%dma_start3A_590 : memref<50x64xf32, #tpu.memory_space<vmem>>) offsets(%dma_start3A_593 : memref<50xi32, #tpu.memory_space<vmem>>) semaphore(%arg10 : memref<!tpu.dma_semaphore, #tpu.memory_space<semaphore_mem>>)
        %dma_start3A_597 = arith.constant 10 : i32
        %dma_start3A_598 = arith.constant 10 : i32
        %dma_start3A_599 = arith.constant 0 : i32
        %dma_start3A_600 = arith.constant 0 : i32
        %dma_start3A_601 = tpu.memref_slice %arg8[%dma_start3A_598, %dma_start3A_599, %dma_start3A_600] : memref<16x50x64xf32, #tpu.memory_space<vmem>> -> memref<1x50x64xf32, #tpu.memory_space<vmem>>
        %dma_start3A_602 = tpu.memref_squeeze %dma_start3A_601 : memref<1x50x64xf32, #tpu.memory_space<vmem>> -> memref<50x64xf32, #tpu.memory_space<vmem>>
        %dma_start3A_603 = arith.constant 0 : i32
        %dma_start3A_604 = tpu.memref_slice %arg6[%dma_start3A_597, %dma_start3A_603] : memref<16x50xi32, #tpu.memory_space<vmem>> -> memref<1x50xi32, #tpu.memory_space<vmem>>
        %dma_start3A_605 = tpu.memref_squeeze %dma_start3A_604 : memref<1x50xi32, #tpu.memory_space<vmem>> -> memref<50xi32, #tpu.memory_space<vmem>>
        %dma_start3A_606 = arith.constant 0 : i32
        %dma_start3A_607 = arith.constant 0 : i32
        %dma_start3A_608 = tpu.memref_slice %arg5[%dma_start3A_606, %dma_start3A_607] : memref<1000x64xf32, #tpu.memory_space<vmem_shared>> -> memref<1000x64xf32, #tpu.memory_space<vmem_shared>>
        tpu.enqueue_indirect_dma source(%dma_start3A_608 : memref<1000x64xf32, #tpu.memory_space<vmem_shared>>) target(%dma_start3A_602 : memref<50x64xf32, #tpu.memory_space<vmem>>) offsets(%dma_start3A_605 : memref<50xi32, #tpu.memory_space<vmem>>) semaphore(%arg10 : memref<!tpu.dma_semaphore, #tpu.memory_space<semaphore_mem>>)
        %dma_start3A_609 = arith.constant 11 : i32
        %dma_start3A_610 = arith.constant 11 : i32
        %dma_start3A_611 = arith.constant 0 : i32
        %dma_start3A_612 = arith.constant 0 : i32
        %dma_start3A_613 = tpu.memref_slice %arg8[%dma_start3A_610, %dma_start3A_611, %dma_start3A_612] : memref<16x50x64xf32, #tpu.memory_space<vmem>> -> memref<1x50x64xf32, #tpu.memory_space<vmem>>
        %dma_start3A_614 = tpu.memref_squeeze %dma_start3A_613 : memref<1x50x64xf32, #tpu.memory_space<vmem>> -> memref<50x64xf32, #tpu.memory_space<vmem>>
        %dma_start3A_615 = arith.constant 0 : i32
        %dma_start3A_616 = tpu.memref_slice %arg6[%dma_start3A_609, %dma_start3A_615] : memref<16x50xi32, #tpu.memory_space<vmem>> -> memref<1x50xi32, #tpu.memory_space<vmem>>
        %dma_start3A_617 = tpu.memref_squeeze %dma_start3A_616 : memref<1x50xi32, #tpu.memory_space<vmem>> -> memref<50xi32, #tpu.memory_space<vmem>>
        %dma_start3A_618 = arith.constant 0 : i32
        %dma_start3A_619 = arith.constant 0 : i32
        %dma_start3A_620 = tpu.memref_slice %arg5[%dma_start3A_618, %dma_start3A_619] : memref<1000x64xf32, #tpu.memory_space<vmem_shared>> -> memref<1000x64xf32, #tpu.memory_space<vmem_shared>>
        tpu.enqueue_indirect_dma source(%dma_start3A_620 : memref<1000x64xf32, #tpu.memory_space<vmem_shared>>) target(%dma_start3A_614 : memref<50x64xf32, #tpu.memory_space<vmem>>) offsets(%dma_start3A_617 : memref<50xi32, #tpu.memory_space<vmem>>) semaphore(%arg10 : memref<!tpu.dma_semaphore, #tpu.memory_space<semaphore_mem>>)
        %dma_start3A_621 = arith.constant 12 : i32
        %dma_start3A_622 = arith.constant 12 : i32
        %dma_start3A_623 = arith.constant 0 : i32
        %dma_start3A_624 = arith.constant 0 : i32
        %dma_start3A_625 = tpu.memref_slice %arg8[%dma_start3A_622, %dma_start3A_623, %dma_start3A_624] : memref<16x50x64xf32, #tpu.memory_space<vmem>> -> memref<1x50x64xf32, #tpu.memory_space<vmem>>
        %dma_start3A_626 = tpu.memref_squeeze %dma_start3A_625 : memref<1x50x64xf32, #tpu.memory_space<vmem>> -> memref<50x64xf32, #tpu.memory_space<vmem>>
        %dma_start3A_627 = arith.constant 0 : i32
        %dma_start3A_628 = tpu.memref_slice %arg6[%dma_start3A_621, %dma_start3A_627] : memref<16x50xi32, #tpu.memory_space<vmem>> -> memref<1x50xi32, #tpu.memory_space<vmem>>
        %dma_start3A_629 = tpu.memref_squeeze %dma_start3A_628 : memref<1x50xi32, #tpu.memory_space<vmem>> -> memref<50xi32, #tpu.memory_space<vmem>>
        %dma_start3A_630 = arith.constant 0 : i32
        %dma_start3A_631 = arith.constant 0 : i32
        %dma_start3A_632 = tpu.memref_slice %arg5[%dma_start3A_630, %dma_start3A_631] : memref<1000x64xf32, #tpu.memory_space<vmem_shared>> -> memref<1000x64xf32, #tpu.memory_space<vmem_shared>>
        tpu.enqueue_indirect_dma source(%dma_start3A_632 : memref<1000x64xf32, #tpu.memory_space<vmem_shared>>) target(%dma_start3A_626 : memref<50x64xf32, #tpu.memory_space<vmem>>) offsets(%dma_start3A_629 : memref<50xi32, #tpu.memory_space<vmem>>) semaphore(%arg10 : memref<!tpu.dma_semaphore, #tpu.memory_space<semaphore_mem>>)
        %dma_start3A_633 = arith.constant 13 : i32
        %dma_start3A_634 = arith.constant 13 : i32
        %dma_start3A_635 = arith.constant 0 : i32
        %dma_start3A_636 = arith.constant 0 : i32
        %dma_start3A_637 = tpu.memref_slice %arg8[%dma_start3A_634, %dma_start3A_635, %dma_start3A_636] : memref<16x50x64xf32, #tpu.memory_space<vmem>> -> memref<1x50x64xf32, #tpu.memory_space<vmem>>
        %dma_start3A_638 = tpu.memref_squeeze %dma_start3A_637 : memref<1x50x64xf32, #tpu.memory_space<vmem>> -> memref<50x64xf32, #tpu.memory_space<vmem>>
        %dma_start3A_639 = arith.constant 0 : i32
        %dma_start3A_640 = tpu.memref_slice %arg6[%dma_start3A_633, %dma_start3A_639] : memref<16x50xi32, #tpu.memory_space<vmem>> -> memref<1x50xi32, #tpu.memory_space<vmem>>
        %dma_start3A_641 = tpu.memref_squeeze %dma_start3A_640 : memref<1x50xi32, #tpu.memory_space<vmem>> -> memref<50xi32, #tpu.memory_space<vmem>>
        %dma_start3A_642 = arith.constant 0 : i32
        %dma_start3A_643 = arith.constant 0 : i32
        %dma_start3A_644 = tpu.memref_slice %arg5[%dma_start3A_642, %dma_start3A_643] : memref<1000x64xf32, #tpu.memory_space<vmem_shared>> -> memref<1000x64xf32, #tpu.memory_space<vmem_shared>>
        tpu.enqueue_indirect_dma source(%dma_start3A_644 : memref<1000x64xf32, #tpu.memory_space<vmem_shared>>) target(%dma_start3A_638 : memref<50x64xf32, #tpu.memory_space<vmem>>) offsets(%dma_start3A_641 : memref<50xi32, #tpu.memory_space<vmem>>) semaphore(%arg10 : memref<!tpu.dma_semaphore, #tpu.memory_space<semaphore_mem>>)
        %dma_start3A_645 = arith.constant 14 : i32
        %dma_start3A_646 = arith.constant 14 : i32
        %dma_start3A_647 = arith.constant 0 : i32
        %dma_start3A_648 = arith.constant 0 : i32
        %dma_start3A_649 = tpu.memref_slice %arg8[%dma_start3A_646, %dma_start3A_647, %dma_start3A_648] : memref<16x50x64xf32, #tpu.memory_space<vmem>> -> memref<1x50x64xf32, #tpu.memory_space<vmem>>
        %dma_start3A_650 = tpu.memref_squeeze %dma_start3A_649 : memref<1x50x64xf32, #tpu.memory_space<vmem>> -> memref<50x64xf32, #tpu.memory_space<vmem>>
        %dma_start3A_651 = arith.constant 0 : i32
        %dma_start3A_652 = tpu.memref_slice %arg6[%dma_start3A_645, %dma_start3A_651] : memref<16x50xi32, #tpu.memory_space<vmem>> -> memref<1x50xi32, #tpu.memory_space<vmem>>
        %dma_start3A_653 = tpu.memref_squeeze %dma_start3A_652 : memref<1x50xi32, #tpu.memory_space<vmem>> -> memref<50xi32, #tpu.memory_space<vmem>>
        %dma_start3A_654 = arith.constant 0 : i32
        %dma_start3A_655 = arith.constant 0 : i32
        %dma_start3A_656 = tpu.memref_slice %arg5[%dma_start3A_654, %dma_start3A_655] : memref<1000x64xf32, #tpu.memory_space<vmem_shared>> -> memref<1000x64xf32, #tpu.memory_space<vmem_shared>>
        tpu.enqueue_indirect_dma source(%dma_start3A_656 : memref<1000x64xf32, #tpu.memory_space<vmem_shared>>) target(%dma_start3A_650 : memref<50x64xf32, #tpu.memory_space<vmem>>) offsets(%dma_start3A_653 : memref<50xi32, #tpu.memory_space<vmem>>) semaphore(%arg10 : memref<!tpu.dma_semaphore, #tpu.memory_space<semaphore_mem>>)
        %dma_start3A_657 = arith.constant 15 : i32
        %dma_start3A_658 = arith.constant 15 : i32
        %dma_start3A_659 = arith.constant 0 : i32
        %dma_start3A_660 = arith.constant 0 : i32
        %dma_start3A_661 = tpu.memref_slice %arg8[%dma_start3A_658, %dma_start3A_659, %dma_start3A_660] : memref<16x50x64xf32, #tpu.memory_space<vmem>> -> memref<1x50x64xf32, #tpu.memory_space<vmem>>
        %dma_start3A_662 = tpu.memref_squeeze %dma_start3A_661 : memref<1x50x64xf32, #tpu.memory_space<vmem>> -> memref<50x64xf32, #tpu.memory_space<vmem>>
        %dma_start3A_663 = arith.constant 0 : i32
        %dma_start3A_664 = tpu.memref_slice %arg6[%dma_start3A_657, %dma_start3A_663] : memref<16x50xi32, #tpu.memory_space<vmem>> -> memref<1x50xi32, #tpu.memory_space<vmem>>
        %dma_start3A_665 = tpu.memref_squeeze %dma_start3A_664 : memref<1x50xi32, #tpu.memory_space<vmem>> -> memref<50xi32, #tpu.memory_space<vmem>>
        %dma_start3A_666 = arith.constant 0 : i32
        %dma_start3A_667 = arith.constant 0 : i32
        %dma_start3A_668 = tpu.memref_slice %arg5[%dma_start3A_666, %dma_start3A_667] : memref<1000x64xf32, #tpu.memory_space<vmem_shared>> -> memref<1000x64xf32, #tpu.memory_space<vmem_shared>>
        tpu.enqueue_indirect_dma source(%dma_start3A_668 : memref<1000x64xf32, #tpu.memory_space<vmem_shared>>) target(%dma_start3A_662 : memref<50x64xf32, #tpu.memory_space<vmem>>) offsets(%dma_start3A_665 : memref<50xi32, #tpu.memory_space<vmem>>) semaphore(%arg10 : memref<!tpu.dma_semaphore, #tpu.memory_space<semaphore_mem>>)
      } else {
      }
      %dma_wait3A_445 = arith.constant 0 : i32
      %dma_wait3A_446 = arith.constant 0 : i32
      %dma_wait3A_447 = arith.constant 0 : i32
      %dma_wait3A_448 = tpu.memref_slice %arg4[%dma_wait3A_445, %dma_wait3A_446, %dma_wait3A_447] : memref<16384x50x64xf32, #tpu.memory_space<hbm>> -> memref<16x50x64xf32, #tpu.memory_space<hbm>>
      %dma_wait3A_449 = arith.constant 0 : i32
      %dma_wait3A_450 = arith.constant 0 : i32
      %dma_wait3A_451 = arith.constant 0 : i32
      %dma_wait3A_452 = tpu.memref_slice %arg4[%dma_wait3A_449, %dma_wait3A_450, %dma_wait3A_451] : memref<16384x50x64xf32, #tpu.memory_space<hbm>> -> memref<16x50x64xf32, #tpu.memory_space<hbm>>
      tpu.wait_dma2 semaphore(%arg11 : memref<!tpu.dma_semaphore, #tpu.memory_space<semaphore_mem>>) src(%dma_wait3A_452 : memref<16x50x64xf32, #tpu.memory_space<hbm>>) dst(%arg9 : memref<16x50x64xf32, #tpu.memory_space<vmem>>)
      %mul3A_453 = arith.constant 16 : i32
      %mul3A_454 = arith.muli %add3A_224, %mul3A_453 : i32
      %add3A_455 = arith.addi %mul3A_2, %mul3A_454 : i32
      %dma_start3A_456 = arith.constant 0 : i32
      %dma_start3A_457 = arith.constant 0 : i32
      %dma_start3A_458 = tpu.memref_slice %arg4[%add3A_455, %dma_start3A_456, %dma_start3A_457] : memref<16384x50x64xf32, #tpu.memory_space<hbm>> -> memref<16x50x64xf32, #tpu.memory_space<hbm>>
      %dma_start3A_459 = arith.constant 0 : i32
      %dma_start3A_460 = arith.constant 0 : i32
      %dma_start3A_461 = tpu.memref_slice %arg4[%add3A_455, %dma_start3A_459, %dma_start3A_460] : memref<16384x50x64xf32, #tpu.memory_space<hbm>> -> memref<16x50x64xf32, #tpu.memory_space<hbm>>
      tpu.enqueue_dma source(%arg9 : memref<16x50x64xf32, #tpu.memory_space<vmem>>) target(%dma_start3A_461 : memref<16x50x64xf32, #tpu.memory_space<hbm>>) target_semaphore(%arg13 : memref<!tpu.dma_semaphore, #tpu.memory_space<semaphore_mem>>)
      %scan3A_462 = arith.constant 0 : i32
      scf.yield %scan3A_462 : i32
    }
    %scan3A_203 = arith.constant 16 : i32
    %add3A_204 = arith.constant 480 : i32
    %add3A_205 = arith.addi %mul3A_2, %add3A_204 : i32
    %dma_wait3A = arith.constant 0 : i32
    %dma_wait3A_206 = arith.constant 0 : i32
    %dma_wait3A_207 = tpu.memref_slice %arg4[%add3A_205, %dma_wait3A, %dma_wait3A_206] : memref<16384x50x64xf32, #tpu.memory_space<hbm>> -> memref<16x50x64xf32, #tpu.memory_space<hbm>>
    %dma_wait3A_208 = arith.constant 0 : i32
    %dma_wait3A_209 = arith.constant 0 : i32
    %dma_wait3A_210 = tpu.memref_slice %arg4[%add3A_205, %dma_wait3A_208, %dma_wait3A_209] : memref<16384x50x64xf32, #tpu.memory_space<hbm>> -> memref<16x50x64xf32, #tpu.memory_space<hbm>>
    tpu.wait_dma2 semaphore(%arg12 : memref<!tpu.dma_semaphore, #tpu.memory_space<semaphore_mem>>) src(%arg8 : memref<16x50x64xf32, #tpu.memory_space<vmem>>) dst(%dma_wait3A_210 : memref<16x50x64xf32, #tpu.memory_space<hbm>>)
    %add3A_211 = arith.constant 496 : i32
    %add3A_212 = arith.addi %mul3A_2, %add3A_211 : i32
    %dma_wait3A_213 = arith.constant 0 : i32
    %dma_wait3A_214 = arith.constant 0 : i32
    %dma_wait3A_215 = tpu.memref_slice %arg4[%add3A_212, %dma_wait3A_213, %dma_wait3A_214] : memref<16384x50x64xf32, #tpu.memory_space<hbm>> -> memref<16x50x64xf32, #tpu.memory_space<hbm>>
    %dma_wait3A_216 = arith.constant 0 : i32
    %dma_wait3A_217 = arith.constant 0 : i32
    %dma_wait3A_218 = tpu.memref_slice %arg4[%add3A_212, %dma_wait3A_216, %dma_wait3A_217] : memref<16384x50x64xf32, #tpu.memory_space<hbm>> -> memref<16x50x64xf32, #tpu.memory_space<hbm>>
    tpu.wait_dma2 semaphore(%arg13 : memref<!tpu.dma_semaphore, #tpu.memory_space<semaphore_mem>>) src(%arg9 : memref<16x50x64xf32, #tpu.memory_space<vmem>>) dst(%dma_wait3A_218 : memref<16x50x64xf32, #tpu.memory_space<hbm>>)
    return
  }
}

</mosaic_0001>

<sc_bundles>
// kernel: kernel.3.cloned.1.call-start
scs
__scs_entry_jumppad:
0x0: {  	(pc) =	sbr.rel $0x88, $3  }
0x1: {  	(tag) =	ssettag $0x0;
	lr =	simm.s32 $0x1  }
0x2: {  	[smem:$0x3F9F] =	sst lr;
	_ =	strace $0xD0000000  }
0x3: {  	_ = 	snop  }
0x4: {  	_ = 	snop  }
0x5: {  	_ = 	snop  }
0x6: {  	_ = 	snop  }
0x7: {  	_ = 	snop  }
__scs_overlays_trampoline_lowered:
0x8: {  	[smem:$0x3FAE] =	sst s0  }
0x9: {  	[smem:$0x3FAF] =	sst s1  }
0xa: {  	[smem:$0x3FB0] =	sst s2  }
0xb: {  	[smem:$0x3FB1] =	sst s3  }
0xc: {  	[smem:$0x3FB2] =	sst s4  }
0xd: {  	[smem:$0x3FB3] =	sst s5  }
0xe: {  	[smem:$0x3FB4] =	sst s6  }
0xf: {  	[smem:$0x3FB5] =	sst s7  }
0x10: {  	[smem:$0x3FB6] =	sst s8  }
0x11: {  	[smem:$0x3FB7] =	sst s9;
	s0 =	simm.s32 @!p0 $0x0  }
0x12: {  	s1 =	sld [smem:$0x3F9D];
	s0 =	simm.s32 @p0 $0x1  }
0x13: {  	[smem:$0x3FB8] =	sst s0;
	s0 =	simm.s32 @!p1 $0x0  }
0x14: {  	s2 =	sld [smem:$0x3F9C];
	s0 =	simm.s32 @p1 $0x1  }
0x15: {  	[smem:$0x3FB9] =	sst s0;
	s0 =	simm.s32 @!p2 $0x0  }
0x16: {  	s3 =	sld [smem:$0x3FDB];
	s0 =	simm.s32 @p2 $0x1  }
0x17: {  	s4 =	simm.s32 $0x1BF5;
	[smem:$0x3FBB] =	sst s0  }
0x18: {  	s0 =	sld [smem:$0x3F9E];
	_ =	swait.ge [sflag:s4], $0x0  }
0x19: {  	s7 =	sld [smem:$0x3F9F]  }
0x1a: {  	s8 =	sadd.s32 $0xFFFFE003, lr  }
0x1b: {  	s9 =	sadd.s32 $0xFFFFFEF7, lr;
	s5 =	simm.s32 $0xFFFFFFFF;
	p2 =	slt.u32 s8, $0xFFFFF086  }
0x1c: {  	p1 =	slt.u32 s9, $0xF7A;
	s5 =	simm.s32 @!p2 $0x0  }
0x1d: {  	s5 =	simm.s32 @p1 $0x1;
	p0 =	seq.s32 s7, s2  }
0x1e: {  	s7 =	smul.u32 @!p0 $0xF7A, s2;
	p2 =	seq.s32 @!p0 s5, $0x0  }
0x1f: {  	s9 =	smul.u32 $0xF7A, s1;
	s8 =	simm.s32 @!p0 $0x1BF5;
	p2 =	por !p2, p0  }
0x20: {  	[sflag:s8] =	ssyncset.s32 @!p0 $0xFFFFF086;
	s6 =	sadd.s32 @!p0 s3, s7;
	s7 =	simm.s32 @!p0 $0x108  }
0x21: {  	s3 =	sadd.s32 s3, s9;
	s6 =	sadd.s32 @!p0 $0x88, s6;
	s7 =	simm.s32 @p2 $0x1082  }
0x22: {  	[simem:s7], [sflag:s8] =	dma.local @!p0 [hbm:s6], $0xF7A  }
0x23: {  	s9 =	sor.u32 $0xD0000000, s2;
	s6 =	simm.s32 $0x108;
	_ =	swait.ge @!p0 [sflag:s8], $0x0  }
0x24: {  	s3 =	sadd.s32 $0x88, s3;
	s6 =	simm.s32 @!p1 $0x1082;
	[sflag:s4] =	ssyncset.s32 $0xFFFFF086  }
0x25: {  	[simem:s6], [sflag:s4] =	dma.local [hbm:s3], $0xF7A  }
0x26: {  	[smem:$0x3F9F] =	sst s1;
	(tag) =	ssettag s2;
	_ =	strace s9  }
0x27: {  	s1 =	sld [smem:$0x3FAF]  }
0x28: {  	s2 =	sld [smem:$0x3FB0]  }
0x29: {  	s4 =	sld [smem:$0x3FB2]  }
0x2a: {  	p0 =	seq.s32 s5, $0x0;
	s5 =	sld [smem:$0x3FB3]  }
0x2b: {  	s6 =	sld [smem:$0x3FB4]  }
0x2c: {  	s7 =	sld [smem:$0x3FB5]  }
0x2d: {  	s3 =	simm.s32 $0x108;
	s8 =	sld [smem:$0x3FB6]  }
0x2e: {  	s3 =	simm.s32 @!p0 $0x1082;
	s9 =	sld [smem:$0x3FB7]  }
0x2f: {  	lr =	sadd.s32 s0, s3;
	s0 =	sld [smem:$0x3FAE]  }
0x30: {  	s3 =	sld [smem:$0x3FB1]  }
0x31: {  	[smem:$0x3FBA] =	sst s10  }
0x32: {  	s10 =	sld [smem:$0x3FB8];
	_ =	sdelay $0x3  }
0x33: {  	p0 =	seq.s32 s10, $0x1;
	s10 =	sld [smem:$0x3FBA];
	_ =	sdelay $0x3  }
0x34: {  	[smem:$0x3FBA] =	sst s10  }
0x35: {  	s10 =	sld [smem:$0x3FB9];
	_ =	sdelay $0x3  }
0x36: {  	p1 =	seq.s32 s10, $0x1;
	s10 =	sld [smem:$0x3FBA];
	_ =	sdelay $0x3  }
0x37: {  	[smem:$0x3FBA] =	sst s10  }
0x38: {  	s10 =	sld [smem:$0x3FBB]  }
0x39: {  	_ = 	snop;
	(pc) =	sbr.ind lr, $3  }
0x3a: {  	_ = 	snop  }
0x3b: {  	_ = 	snop  }
0x3c: {  	p2 =	seq.s32 s10, $0x1;
	s10 =	sld [smem:$0x3FBA]  }
0x3d: {  	_ =	shalt  }
0x3e: {  	_ =	shalt  }
0x3f: {  	_ =	shalt  }
0x40: {  	_ =	shalt  }
0x41: {  	_ =	shalt  }
0x42: {  	_ =	shalt  }
0x43: {  	_ =	shalt  }
0x44: {  	_ =	shalt  }
0x45: {  	_ =	shalt  }
0x46: {  	_ =	shalt  }
0x47: {  	_ =	shalt  }
0x48: {  	_ =	shalt  }
0x49: {  	_ =	shalt  }
0x4a: {  	_ =	shalt  }
0x4b: {  	_ =	shalt  }
0x4c: {  	_ =	shalt  }
0x4d: {  	_ =	shalt  }
0x4e: {  	_ =	shalt  }
0x4f: {  	_ =	shalt  }
0x50: {  	_ =	shalt  }
0x51: {  	_ =	shalt  }
0x52: {  	_ =	shalt  }
0x53: {  	_ =	shalt  }
0x54: {  	_ =	shalt  }
0x55: {  	_ =	shalt  }
0x56: {  	_ =	shalt  }
0x57: {  	_ =	shalt  }
0x58: {  	_ =	shalt  }
0x59: {  	_ =	shalt  }
0x5a: {  	_ =	shalt  }
0x5b: {  	_ =	shalt  }
0x5c: {  	_ =	shalt  }
0x5d: {  	_ =	shalt  }
0x5e: {  	_ =	shalt  }
0x5f: {  	_ =	shalt  }
0x60: {  	_ =	shalt  }
0x61: {  	_ =	shalt  }
0x62: {  	_ =	shalt  }
0x63: {  	_ =	shalt  }
0x64: {  	_ =	shalt  }
0x65: {  	_ =	shalt  }
0x66: {  	_ =	shalt  }
0x67: {  	_ =	shalt  }
0x68: {  	_ =	shalt  }
0x69: {  	_ =	shalt  }
0x6a: {  	_ =	shalt  }
0x6b: {  	_ =	shalt  }
0x6c: {  	_ =	shalt  }
0x6d: {  	_ =	shalt  }
0x6e: {  	_ =	shalt  }
0x6f: {  	_ =	shalt  }
0x70: {  	_ =	shalt  }
0x71: {  	_ =	shalt  }
0x72: {  	_ =	shalt  }
0x73: {  	_ =	shalt  }
0x74: {  	_ =	shalt  }
0x75: {  	_ =	shalt  }
0x76: {  	_ =	shalt  }
0x77: {  	_ =	shalt  }
0x78: {  	_ =	shalt  }
0x79: {  	_ =	shalt  }
0x7a: {  	_ =	shalt  }
0x7b: {  	_ =	shalt  }
0x7c: {  	_ =	shalt  }
0x7d: {  	_ =	shalt  }
0x7e: {  	_ =	shalt  }
0x7f: {  	_ =	shalt  }
0x80: {  	_ =	shalt  }
0x81: {  	_ =	shalt  }
0x82: {  	_ =	shalt  }
0x83: {  	_ =	shalt  }
0x84: {  	_ =	shalt  }
0x85: {  	_ =	shalt  }
0x86: {  	_ =	shalt  }
0x87: {  	_ =	shalt  }
.Lfunc_end0:
.L_simem_size_0:
called_computation.1_lowered:
.L_overlay_start_0:
0x88: {  	s2 =	sld [smem:$0x3FD9]  }
0x89: {  	s3 =	sld [smem:$0x3FFE];
	_ =	sdelay $0x1  }
0x8a: {  	s1 =	srdreg.scid  }
0x8b: {  	s0 =	sand.u32 $0x1, s1  }
0x8c: {  	s17 =	sshll.u32 s0, $0xA;
	s2 =	sadd.s32 s3, s2  }
0x8d: {  	s2 =	sadd.s32 s2, s17  }
0x8e: {  	[smem:$0x3FC6] =	sst s2  }
0x8f: {  	_ = 	snop  }
0x90: {  	s2 =	sld [smem:$0x3FD0];
	(tm) =	ssettm $0x1  }
0x91: {  	s18 =	sld [smem:$0x3FFB];
	_ =	sdelay $0x3  }
0x92: {  	_ =	strace s18  }
0x93: {  	s3 =	sld [smem:$0x3FFC];
	_ =	sdelay $0x3  }
0x94: {  	_ =	strace s3  }
0x95: {  	s3 =	sld [smem:$0x3FFD];
	_ =	sdelay $0x3  }
0x96: {  	_ =	strace s3  }
0x97: {  	_ =	strace $0x8FFFFFFF  }
0x98: {  	s19 =	sld [smem:$0x3FDB];
	_ =	sdelay $0x1  }
0x99: {  	s4 =	simm.s32 $_scs_section_size  }
0x9a: {  	s5 =	simm.s32 $_size__tile_overlayer_lowered;
	s6 =	simm.s32 $_tile_overlayer_lowered  }
0x9b: {  	s22 =	simm.s32 $0x1BFF;
	s21 =	sshll.u32 s6, $0x1;
	s3 =	sadd.s32 s4, s19  }
0x9c: {  	s7 =	simm.s32 $0x0;
	s20 =	sshll.u32 s5, $0x1;
	s5 =	sadd.s32 s21, s3  }
0x9d: {  	[timem:s7], [sflag:s22] =	dma.local [hbm:s5], s20  }
0x9e: {  	_ =	swait.ge [sflag:s22], s20  }
0x9f: {  	s4 =	ssub.s32 $0x0, s20;
	[sflag:s22] =	ssyncset.done $0x0  }
0xa0: {  	[sflag:s22] =	ssyncadd.s32 s4;
	_ =	sdelay $0x1  }
0xa1: {  	s23 =	simm.s32 $0x1B8B  }
0xa2: {  	_ =	swait.ge [sflag:s23], $0x1  }
0xa3: {  	[sflag:s23] =	ssyncset.done $0x0  }
0xa4: {  	s25 =	simm.s32 $0x1B8E;
	s24 =	sld [smem:$0x3FFE];
	[sflag:s23] =	ssyncadd.s32 $0xFFFFFFFF  }
0xa5: {  	s26 =	simm.s32 $execute0_lowered;
	[smem:$0x3FD2] =	sst s25  }
0xa6: {  	s5 =	sshll.u32 s26, $0x1;
	_ =	strace $0x80000046;
	[dreg:$0x1] =	wrdreg $0xFFFFFFFF  }
0xa7: {  	s28 =	simm.s32 $_size_execute0_lowered;
	s3 =	sadd.s32 s3, s5;
	[dreg:$0x0] =	wrdreg $0x0  }
0xa8: {  	s5 =	sshll.u32 s28, $0x1;
	[dreg:$0x2] =	wrdreg s3  }
0xa9: {  	[dreg:$0x3] =	wrdreg s5  }
0xaa: {  	[dreg:$0x4] =	wrdreg $0xC0  }
0xab: {  	_ =	task [dreg:s7], $0x5FFFF  }
0xac: {  	[dreg:$0x1] =	wrdreg $0xFFFFFFFF  }
0xad: {  	[dreg:$0x0] =	wrdreg $0x60  }
0xae: {  	[dreg:$0x2] =	wrdreg s24  }
0xaf: {  	[dreg:$0x3] =	wrdreg s2  }
0xb0: {  	[dreg:$0x4] =	wrdreg $0x0  }
0xb1: {  	[dreg:$0x5] =	wrdreg $0x9  }
0xb2: {  	_ =	task.clear_ibuf [dreg:s7], $0x6FFFF;
	_ =	strace $0x90000046  }
0xb3: {  	s29 =	simm.s32 $0x9;
	_ =	strace $0x80000048  }
0xb4: {  	_ =	swait.ge [sflag:s29], $0x1  }
0xb5: {  	[sflag:s29] =	ssyncadd.s32 $0xFFFFFFFF  }
0xb6: {  	_ =	strace $0x90000048  }
0xb7: {  	_ =	sfence  }
0xb8: {  	s30 =	sld [smem:$0x0];
	_ =	sdelay $0x2  }
0xb9: {  	s31 =	sshll.u32 s1, $0xD;
	s1 =	sshrl.u32 s1, $0x2  }
0xba: {  	s3 =	sand.u32 $0x4000, s31;
	s1 =	sadd.s32 s1, s30  }
0xbb: {  	s0 =	sor.u32 s3, s0;
	s1 =	sshll.u32 s1, $0x11  }
0xbc: {  	s0 =	sor.u32 s1, s0  }
0xbd: {  	s0 =	sadd.s32 $0x8F2B, s0  }
0xbe: {  	[sflag:s0] =	ssyncadd.remote.s32 $0x1  }
0xbf: {  	_ =	sfence.sel $0xFFFF  }
0xc0: {  	[dreg:$0x0] =	wrdreg $0xFFFFFFFF;
	(pc) =	sbr.abs _section_cstart, $3  }
0xc1: {  	[dreg:$0x1] =	wrdreg $0xFFFFFFFF  }
0xc2: {  	_ =	task.clear_ibuf [dreg:s7], $0x2FFFF;
	_ =	strace $0x9FFFFFFF  }
0xc3: {  	(tm) =	ssettm $0x7FFFFFFF  }
tec
execute0_lowered:
.L_overlay_start_1:
0x0: {  	(tag) =	ssettag $0x1  }
0x1: {  	s0 =	rddreg [dreg:$0x0]  }
0x2: {  	s4 =	rddreg [dreg:$0x1]  }
0x3: {  	s1 =	rddreg [dreg:$0x2];
	s2 =	simm.s32 $0x0  }
0x4: {  	[smem:$0x7FF] =	sst s2;
	s17 =	sadd.s32 $0x800, s0  }
0x5: {  	s20 =	simm.s32 $0x1358;
	_ =	strace $0x80000047;
	[smem:$0x7F7] =	sst s17  }
0x6: {  	s21 =	simm.s32 $0xEB20;
	[dreg:$0x5] =	wrdreg s20  }
0x7: {  	s22 =	simm.s32 $0x1390;
	[dreg:$0x6] =	wrdreg s21  }
0x8: {  	s23 =	simm.s32 $0xF7A0;
	[dreg:$0x7] =	wrdreg s22  }
0x9: {  	s24 =	simm.s32 $0x13C8;
	[dreg:$0x8] =	wrdreg s23  }
0xa: {  	s25 =	simm.s32 $0x10420;
	[dreg:$0x9] =	wrdreg s24  }
0xb: {  	s28 =	simm.s32 $0x1400;
	[dreg:$0xa] =	wrdreg s25  }
0xc: {  	s31 =	simm.s32 $0x110A0;
	[dreg:$0xb] =	wrdreg s28  }
0xd: {  	s3 =	srdreg.scid;
	s11 =	simm.s32 $0x129A0;
	[dreg:$0xc] =	wrdreg s31  }
0xe: {  	s7 =	stileid.u32;
	s12 =	simm.s32 $0x14A8;
	[dreg:$0x10] =	wrdreg s11  }
0xf: {  	s13 =	simm.s32 $0x13620;
	s14 =	simm.s32 $0x14E0;
	[dreg:$0x11] =	wrdreg s12  }
0x10: {  	s15 =	simm.s32 $0x142A0;
	s16 =	simm.s32 $0x1518;
	[dreg:$0x12] =	wrdreg s13  }
0x11: {  	s29 =	simm.s32 $0x0;
	s6 =	sand.u32 $0x1, s3;
	[dreg:$0x13] =	wrdreg s14  }
0x12: {  	s5 =	smul.u32 $0x64000, s7;
	s0 =	sadd.s32 $0x2800, s0;
	[dreg:$0x14] =	wrdreg s15  }
0x13: {  	s9 =	sshll.u32 s7, $0xA;
	[dreg:$0x15] =	wrdreg s16;
	s17 =	simm.s32 $0x14F20  }
0x14: {  	s3 =	smul.u32 $0x1C00, s7;
	s20 =	simm.s32 $0x1588;
	[dreg:$0x16] =	wrdreg s17  }
0x15: {  	p0 =	sne.s32 s7, $0x0;
	s21 =	simm.s32 $0x16820;
	[dreg:$0x19] =	wrdreg s20  }
0x16: {  	s8 =	smul.u32 $0x32000, s6;
	s22 =	simm.s32 $0x15C0;
	[dreg:$0x1a] =	wrdreg s21  }
0x17: {  	s18 =	ssub.s32 $0x2, s6;
	s23 =	simm.s32 $0x174A0;
	[dreg:$0x1b] =	wrdreg s22  }
0x18: {  	s10 =	sshll.u32 s6, $0x9;
	s24 =	simm.s32 $0x15F8;
	[dreg:$0x1c] =	wrdreg s23  }
0x19: {  	s6 =	smul.u32 $0xE00, s6;
	s25 =	simm.s32 $0x18120;
	[dreg:$0x1d] =	wrdreg s24  }
0x1a: {  	s11 =	simm.s32 $0x16A0;
	s28 =	simm.s32 $0x18DA0;
	[dreg:$0x1e] =	wrdreg s25  }
0x1b: {  	s31 =	simm.s32 $0x19A20;
	s4 =	sadd.s32 s5, s4;
	[smem:$0x7FB] =	sst s28  }
0x1c: {  	s9 =	sor.u32 s10, s9;
	s10 =	simm.s32 $0x1470;
	[smem:$0x7FD] =	sst s31  }
0x1d: {  	s19 =	sshrl.u32 s18, $0x1;
	s4 =	sadd.s32 s8, s4;
	[dreg:$0xf] =	wrdreg s10  }
0x1e: {  	s5 =	ssub.s32 s18, s19;
	s18 =	simm.s32 $0x1550;
	[dreg:$0x4] =	wrdreg s4  }
0x1f: {  	s22 =	simm.s32 $0x1320;
	s19 =	simm.s32 $0x15BA0;
	[dreg:$0x17] =	wrdreg s18  }
0x20: {  	s23 =	simm.s32 $0xDEA0;
	s30 =	smax.u32 s5, $0x1;
	[dreg:$0x18] =	wrdreg s19  }
0x21: {  	s9 =	smul.u32 $0x7, s9;
	s4 =	simm.s32 $0x1438;
	[smem:$0x7F9] =	sst s30  }
0x22: {  	s24 =	simm.s32 $0x1;
	s5 =	simm.s32 $0x11D20;
	[dreg:$0xd] =	wrdreg s4  }
0x23: {  	s25 =	simm.s32 $0x2;
	s26 =	sadd.s32 s0, s9;
	[dreg:$0xe] =	wrdreg s5  }
0x24: {  	s0 =	sadd.s32 s3, s0;
	s3 =	sshrl.u32 @!p0 s1, $0x3;
	[smem:$0x7F8] =	sst s26  }
0x25: {  	s10 =	simm.s32 $0x32;
	s30 =	simm.s32 $0x1668;
	[smem:$0x7FA] =	sst s3  }
0x26: {  	s0 =	sadd.s32 s6, s0;
	s26 =	simm.s32 $0x1630;
	[smem:$0x7FC] =	sst s30  }
0x27: {  	s9 =	simm.s32 $0x5;
	s6 =	sadd.s32 $0x70, s0;
	[dreg:$0x1f] =	wrdreg s26  }
.LBB2_1:
0x28: {  	s3 =	sld [smem:$0x7F7]  }
0x29: {  	s4 =	sld [smem:$0x7FA];
	_ =	sdelay $0x1  }
0x2a: {  	s0 =	simm.s32 @!p0 $0x1C05  }
0x2b: {  	[spmem:s4], [sflag:s0] =	dma.local @!p0 [hbm:s3], $0x1F40  }
0x2c: {  	s0 =	simm.s32 @!p0 $0x5  }
0x2d: {  	_ =	swait.ge @!p0 [sflag:s0], $0x1F40  }
0x2e: {  	[sflag:s0] =	ssyncset.done @!p0 $0x0  }
0x2f: {  	[sflag:s0] =	ssyncadd.s32 @!p0 $0xFFFFE0C0  }
0x30: {  	[bflag:$0x0] =	sbarrier.arrive $0xFFFF  }
0x31: {  	s4 =	sld [smem:$0x7F8];
	_ =	sdelay $0x1  }
0x32: {  	s5 =	simm.s32 $0xFA0  }
0x33: {  	[tilespmem:s5], [sflag:$0x5] =	stream.linear.gather [hbm4b:s4+s2], $0x380, $0x38;
	[tilespmem:$0x1A6A0] =	vst v63  }
0x34: {  	_ =	swait.ge [sflag:s9], $0x380  }
0x35: {  	[sflag:s9] =	ssyncset.done $0x0  }
0x36: {  	[sflag:s9] =	ssyncadd.s32 $0xFFFFFC80  }
0x37: {  	[tilespmem:s11], [sflag:$0x1] =	stream.indirect.gather [spmem:s1], $0x40, s5, s10, $0xb8;
	[tilespmem:$0x1A6A0] =	vst v63  }
0x38: {  	s7 =	simm.s32 $0xFD8;
	s8 =	simm.s32 $0x2320  }
0x39: {  	[tilespmem:s8], [sflag:$0x1] =	stream.indirect.gather [spmem:s1], $0x40, s7, s10, $0xb8;
	[tilespmem:$0x1A6A0] =	vst v63  }
0x3a: {  	s12 =	simm.s32 $0x1010;
	s13 =	simm.s32 $0x2FA0  }
0x3b: {  	[tilespmem:s13], [sflag:$0x1] =	stream.indirect.gather [spmem:s1], $0x40, s12, s10, $0xb8;
	[tilespmem:$0x1A6A0] =	vst v63  }
0x3c: {  	s14 =	simm.s32 $0x1048;
	s15 =	simm.s32 $0x3C20  }
0x3d: {  	[tilespmem:s15], [sflag:$0x1] =	stream.indirect.gather [spmem:s1], $0x40, s14, s10, $0xb8;
	[tilespmem:$0x1A6A0] =	vst v63  }
0x3e: {  	s16 =	simm.s32 $0x1080;
	s17 =	simm.s32 $0x48A0  }
0x3f: {  	[tilespmem:s17], [sflag:$0x1] =	stream.indirect.gather [spmem:s1], $0x40, s16, s10, $0xb8;
	[tilespmem:$0x1A6A0] =	vst v63  }
0x40: {  	s18 =	simm.s32 $0x10B8;
	s19 =	simm.s32 $0x5520  }
0x41: {  	[tilespmem:s19], [sflag:$0x1] =	stream.indirect.gather [spmem:s1], $0x40, s18, s10, $0xb8;
	[tilespmem:$0x1A6A0] =	vst v63  }
0x42: {  	s20 =	simm.s32 $0x10F0;
	s21 =	simm.s32 $0x61A0  }
0x43: {  	[tilespmem:s21], [sflag:$0x1] =	stream.indirect.gather [spmem:s1], $0x40, s20, s10, $0xb8;
	[tilespmem:$0x1A6A0] =	vst v63  }
0x44: {  	s26 =	simm.s32 $0x1128;
	s28 =	simm.s32 $0x6E20  }
0x45: {  	[tilespmem:s28], [sflag:$0x1] =	stream.indirect.gather [spmem:s1], $0x40, s26, s10, $0xb8;
	[tilespmem:$0x1A6A0] =	vst v63  }
0x46: {  	s3 =	simm.s32 $0x1160;
	s4 =	simm.s32 $0x7AA0  }
0x47: {  	[tilespmem:s4], [sflag:$0x1] =	stream.indirect.gather [spmem:s1], $0x40, s3, s10, $0xb8;
	[tilespmem:$0x1A6A0] =	vst v63  }
0x48: {  	s5 =	simm.s32 $0x1198;
	s7 =	simm.s32 $0x8720  }
0x49: {  	[tilespmem:s7], [sflag:$0x1] =	stream.indirect.gather [spmem:s1], $0x40, s5, s10, $0xb8;
	[tilespmem:$0x1A6A0] =	vst v63  }
0x4a: {  	s8 =	simm.s32 $0x11D0;
	s12 =	simm.s32 $0x93A0  }
0x4b: {  	[tilespmem:s12], [sflag:$0x1] =	stream.indirect.gather [spmem:s1], $0x40, s8, s10, $0xb8;
	[tilespmem:$0x1A6A0] =	vst v63  }
0x4c: {  	s13 =	simm.s32 $0x1208;
	s14 =	simm.s32 $0xA020  }
0x4d: {  	[tilespmem:s14], [sflag:$0x1] =	stream.indirect.gather [spmem:s1], $0x40, s13, s10, $0xb8;
	[tilespmem:$0x1A6A0] =	vst v63  }
0x4e: {  	s15 =	simm.s32 $0x1240;
	s16 =	simm.s32 $0xACA0  }
0x4f: {  	[tilespmem:s16], [sflag:$0x1] =	stream.indirect.gather [spmem:s1], $0x40, s15, s10, $0xb8;
	[tilespmem:$0x1A6A0] =	vst v63  }
0x50: {  	s17 =	simm.s32 $0x1278;
	s18 =	simm.s32 $0xB920  }
0x51: {  	[tilespmem:s18], [sflag:$0x1] =	stream.indirect.gather [spmem:s1], $0x40, s17, s10, $0xb8;
	[tilespmem:$0x1A6A0] =	vst v63  }
0x52: {  	p1 =	por $0x1, $0x1;
	s19 =	simm.s32 $0x12B0;
	s20 =	simm.s32 $0xC5A0  }
0x53: {  	[tilespmem:s20], [sflag:$0x1] =	stream.indirect.gather [spmem:s1], $0x40, s19, s10, $0xb8;
	[tilespmem:$0x1A6A0] =	vst v63  }
0x54: {  	s0 =	simm.s32 @!p1 $0x4;
	s21 =	simm.s32 $0x12E8;
	s26 =	simm.s32 $0xD220  }
0x55: {  	[tilespmem:s26], [sflag:$0x1] =	stream.indirect.gather [spmem:s1], $0x40, s21, s10, $0xb8;
	[tilespmem:$0x1A6A0] =	vst v63  }
0x56: {  	_ =	swait.ge @!p1 [sflag:s0], $0xC800  }
0x57: {  	[sflag:s0] =	ssyncset.done @!p1 $0x0  }
0x58: {  	[sflag:s0] =	ssyncadd.s32 @!p1 $0xFFFF3800  }
0x59: {  	[tilespmem:s22], [sflag:$0x5] =	stream.linear.gather [hbm4b:s6+s2], $0x380, $0x38;
	[tilespmem:$0x1A6A0] =	vst v63  }
0x5a: {  	_ =	swait.ge [sflag:s9], $0x380  }
0x5b: {  	s0 =	sld [smem:$0x7FD]  }
0x5c: {  	s12 =	sld [smem:$0x7FB]  }
0x5d: {  	s13 =	rddreg [dreg:$0x7]  }
0x5e: {  	s14 =	rddreg [dreg:$0x5]  }
0x5f: {  	s15 =	rddreg [dreg:$0x6]  }
0x60: {  	s16 =	rddreg [dreg:$0x8]  }
0x61: {  	s28 =	rddreg [dreg:$0x9]  }
0x62: {  	s3 =	rddreg [dreg:$0xa]  }
0x63: {  	s4 =	rddreg [dreg:$0xc]  }
0x64: {  	s5 =	rddreg [dreg:$0xb]  }
0x65: {  	s7 =	rddreg [dreg:$0xe]  }
0x66: {  	s8 =	rddreg [dreg:$0xd]  }
0x67: {  	s17 =	rddreg [dreg:$0x10]  }
0x68: {  	[sflag:s9] =	ssyncset.done $0x0;
	s18 =	rddreg [dreg:$0xf]  }
0x69: {  	s19 =	rddreg [dreg:$0x12];
	[sflag:s9] =	ssyncadd.s32 $0xFFFFFC80  }
0x6a: {  	[tilespmem:s23], [sflag:$0x2] =	stream.indirect.gather [spmem:s1], $0x40, s22, s10, $0xb8;
	[tilespmem:$0x1A6A0] =	vst v63  }
0x6b: {  	s20 =	rddreg [dreg:$0x11]  }
0x6c: {  	[tilespmem:s15], [sflag:$0x2] =	stream.indirect.gather [spmem:s1], $0x40, s14, s10, $0xb8;
	[tilespmem:$0x1A6A0] =	vst v63  }
0x6d: {  	s21 =	rddreg [dreg:$0x14]  }
0x6e: {  	[tilespmem:s16], [sflag:$0x2] =	stream.indirect.gather [spmem:s1], $0x40, s13, s10, $0xb8;
	[tilespmem:$0x1A6A0] =	vst v63  }
0x6f: {  	s26 =	rddreg [dreg:$0x13]  }
0x70: {  	[tilespmem:s3], [sflag:$0x2] =	stream.indirect.gather [spmem:s1], $0x40, s28, s10, $0xb8;
	[tilespmem:$0x1A6A0] =	vst v63  }
0x71: {  	s28 =	rddreg [dreg:$0x16]  }
0x72: {  	s3 =	rddreg [dreg:$0x15]  }
0x73: {  	[tilespmem:s4], [sflag:$0x2] =	stream.indirect.gather [spmem:s1], $0x40, s5, s10, $0xb8;
	[tilespmem:$0x1A6A0] =	vst v63  }
0x74: {  	s4 =	rddreg [dreg:$0x18]  }
0x75: {  	[tilespmem:s7], [sflag:$0x2] =	stream.indirect.gather [spmem:s1], $0x40, s8, s10, $0xb8;
	[tilespmem:$0x1A6A0] =	vst v63  }
0x76: {  	s5 =	rddreg [dreg:$0x17]  }
0x77: {  	[tilespmem:s17], [sflag:$0x2] =	stream.indirect.gather [spmem:s1], $0x40, s18, s10, $0xb8;
	[tilespmem:$0x1A6A0] =	vst v63  }
0x78: {  	s7 =	rddreg [dreg:$0x1a]  }
0x79: {  	[tilespmem:s19], [sflag:$0x2] =	stream.indirect.gather [spmem:s1], $0x40, s20, s10, $0xb8;
	[tilespmem:$0x1A6A0] =	vst v63  }
0x7a: {  	s8 =	rddreg [dreg:$0x19]  }
0x7b: {  	[tilespmem:s21], [sflag:$0x2] =	stream.indirect.gather [spmem:s1], $0x40, s26, s10, $0xb8;
	[tilespmem:$0x1A6A0] =	vst v63  }
0x7c: {  	s17 =	rddreg [dreg:$0x1c]  }
0x7d: {  	[tilespmem:s28], [sflag:$0x2] =	stream.indirect.gather [spmem:s1], $0x40, s3, s10, $0xb8;
	[tilespmem:$0x1A6A0] =	vst v63  }
0x7e: {  	s18 =	rddreg [dreg:$0x1b]  }
0x7f: {  	[tilespmem:s4], [sflag:$0x2] =	stream.indirect.gather [spmem:s1], $0x40, s5, s10, $0xb8;
	[tilespmem:$0x1A6A0] =	vst v63  }
0x80: {  	s19 =	rddreg [dreg:$0x1e]  }
0x81: {  	[tilespmem:s7], [sflag:$0x2] =	stream.indirect.gather [spmem:s1], $0x40, s8, s10, $0xb8;
	[tilespmem:$0x1A6A0] =	vst v63  }
0x82: {  	s20 =	rddreg [dreg:$0x1d]  }
0x83: {  	[tilespmem:s17], [sflag:$0x2] =	stream.indirect.gather [spmem:s1], $0x40, s18, s10, $0xb8;
	[tilespmem:$0x1A6A0] =	vst v63  }
0x84: {  	s21 =	rddreg [dreg:$0x1f]  }
0x85: {  	[tilespmem:s19], [sflag:$0x2] =	stream.indirect.gather [spmem:s1], $0x40, s20, s10, $0xb8;
	[tilespmem:$0x1A6A0] =	vst v63  }
0x86: {  	s26 =	sld [smem:$0x7FC]  }
0x87: {  	[tilespmem:s12], [sflag:$0x2] =	stream.indirect.gather [spmem:s1], $0x40, s21, s10, $0xb8;
	[tilespmem:$0x1A6A0] =	vst v63  }
0x88: {  	_ = 	snop  }
0x89: {  	[tilespmem:s0], [sflag:$0x2] =	stream.indirect.gather [spmem:s1], $0x40, s26, s10, $0xb8;
	[tilespmem:$0x1A6A0] =	vst v63  }
0x8a: {  	_ =	swait.ge [sflag:s24], $0xC800  }
0x8b: {  	p2 =	por $0x0, $0x0;
	s28 =	rddreg [dreg:$0x4];
	[sflag:s24] =	ssyncset.done $0x0  }
0x8c: {  	s12 =	simm.s32 @!p2 $0x3;
	[sflag:s24] =	ssyncadd.s32 $0xFFFF3800;
	s0 =	sadd.s32 $0x0, s28  }
0x8d: {  	[hbm4b:s0+s2] =	stream.linear.scatter [tilespmem:s11], [sflag:$0x3], $0xC800, $0x38;
	[tilespmem:$0x1A6A0] =	vst v63  }
0x8e: {  	_ =	swait.ge @!p2 [sflag:s12], $0xC800  }
0x8f: {  	s14 =	simm.s32 @!p2 $0xFA0;
	s15 =	simm.s32 @!p2 $0x0;
	[sflag:s12] =	ssyncset.done @!p2 $0x0  }
0x90: {  	s13 =	sadd.s32 @!p2 $0x70, s6;
	[sflag:s12] =	ssyncadd.s32 @!p2 $0xFFFF3800;
	s12 =	simm.s32 @!p2 $0x5  }
0x91: {  	[tilespmem:s14], [sflag:$0x5] =	stream.linear.gather @!p2 [hbm4b:s13+s15], $0x380, $0x38;
	[tilespmem:$0x1A6A0] =	vst v63  }
0x92: {  	_ =	swait.ge @!p2 [sflag:s12], $0x380  }
0x93: {  	[sflag:s12] =	ssyncset.done @!p2 $0x0  }
0x94: {  	s13 =	simm.s32 @!p2 $0x32;
	s15 =	simm.s32 @!p2 $0x16A0;
	[sflag:s12] =	ssyncadd.s32 @!p2 $0xFFFFFC80  }
0x95: {  	[tilespmem:s15], [sflag:$0x1] =	stream.indirect.gather @!p2 [spmem:s1], $0x40, s14, s13, $0xb8;
	[tilespmem:$0x1A6A0] =	vst v63  }
0x96: {  	s12 =	simm.s32 @!p2 $0xFD8;
	s14 =	simm.s32 @!p2 $0x2320  }
0x97: {  	[tilespmem:s14], [sflag:$0x1] =	stream.indirect.gather @!p2 [spmem:s1], $0x40, s12, s13, $0xb8;
	[tilespmem:$0x1A6A0] =	vst v63  }
0x98: {  	s12 =	simm.s32 @!p2 $0x1010;
	s14 =	simm.s32 @!p2 $0x2FA0  }
0x99: {  	[tilespmem:s14], [sflag:$0x1] =	stream.indirect.gather @!p2 [spmem:s1], $0x40, s12, s13, $0xb8;
	[tilespmem:$0x1A6A0] =	vst v63  }
0x9a: {  	s12 =	simm.s32 @!p2 $0x1048;
	s14 =	simm.s32 @!p2 $0x3C20  }
0x9b: {  	[tilespmem:s14], [sflag:$0x1] =	stream.indirect.gather @!p2 [spmem:s1], $0x40, s12, s13, $0xb8;
	[tilespmem:$0x1A6A0] =	vst v63  }
0x9c: {  	s12 =	simm.s32 @!p2 $0x1080;
	s14 =	simm.s32 @!p2 $0x48A0  }
0x9d: {  	[tilespmem:s14], [sflag:$0x1] =	stream.indirect.gather @!p2 [spmem:s1], $0x40, s12, s13, $0xb8;
	[tilespmem:$0x1A6A0] =	vst v63  }
0x9e: {  	s12 =	simm.s32 @!p2 $0x10B8;
	s14 =	simm.s32 @!p2 $0x5520  }
0x9f: {  	[tilespmem:s14], [sflag:$0x1] =	stream.indirect.gather @!p2 [spmem:s1], $0x40, s12, s13, $0xb8;
	[tilespmem:$0x1A6A0] =	vst v63  }
0xa0: {  	s12 =	simm.s32 @!p2 $0x10F0;
	s14 =	simm.s32 @!p2 $0x61A0  }
0xa1: {  	[tilespmem:s14], [sflag:$0x1] =	stream.indirect.gather @!p2 [spmem:s1], $0x40, s12, s13, $0xb8;
	[tilespmem:$0x1A6A0] =	vst v63  }
0xa2: {  	s12 =	simm.s32 @!p2 $0x1128;
	s14 =	simm.s32 @!p2 $0x6E20  }
0xa3: {  	[tilespmem:s14], [sflag:$0x1] =	stream.indirect.gather @!p2 [spmem:s1], $0x40, s12, s13, $0xb8;
	[tilespmem:$0x1A6A0] =	vst v63  }
0xa4: {  	s12 =	simm.s32 @!p2 $0x1160;
	s14 =	simm.s32 @!p2 $0x7AA0  }
0xa5: {  	[tilespmem:s14], [sflag:$0x1] =	stream.indirect.gather @!p2 [spmem:s1], $0x40, s12, s13, $0xb8;
	[tilespmem:$0x1A6A0] =	vst v63  }
0xa6: {  	s30 =	simm.s32 $0x3200;
	s12 =	simm.s32 @!p2 $0x1198;
	s14 =	simm.s32 @!p2 $0x8720  }
0xa7: {  	[tilespmem:s14], [sflag:$0x1] =	stream.indirect.gather @!p2 [spmem:s1], $0x40, s12, s13, $0xb8;
	[tilespmem:$0x1A6A0] =	vst v63  }
0xa8: {  	s31 =	sadd.s32 $0xE0, s6;
	s15 =	simm.s32 @!p2 $0x93A0;
	s14 =	simm.s32 @!p2 $0x11D0  }
.LBB2_2:
0xa9: {  	[tilespmem:s15], [sflag:$0x1] =	stream.indirect.gather @!p2 [spmem:s1], $0x40, s14, s13, $0xb8;
	[tilespmem:$0x1A6A0] =	vst v63  }
0xaa: {  	s16 =	simm.s32 @!p2 $0x1208;
	s17 =	simm.s32 @!p2 $0xA020  }
0xab: {  	[tilespmem:s17], [sflag:$0x1] =	stream.indirect.gather @!p2 [spmem:s1], $0x40, s16, s13, $0xb8;
	[tilespmem:$0x1A6A0] =	vst v63  }
0xac: {  	s14 =	simm.s32 @!p2 $0x1240;
	s15 =	simm.s32 @!p2 $0xACA0  }
0xad: {  	[tilespmem:s15], [sflag:$0x1] =	stream.indirect.gather @!p2 [spmem:s1], $0x40, s14, s13, $0xb8;
	[tilespmem:$0x1A6A0] =	vst v63  }
0xae: {  	s16 =	simm.s32 @!p2 $0x1278;
	s17 =	simm.s32 @!p2 $0xB920  }
0xaf: {  	[tilespmem:s17], [sflag:$0x1] =	stream.indirect.gather @!p2 [spmem:s1], $0x40, s16, s13, $0xb8;
	[tilespmem:$0x1A6A0] =	vst v63  }
0xb0: {  	s14 =	simm.s32 @!p2 $0x12B0;
	s15 =	simm.s32 @!p2 $0xC5A0  }
0xb1: {  	[tilespmem:s15], [sflag:$0x1] =	stream.indirect.gather @!p2 [spmem:s1], $0x40, s14, s13, $0xb8;
	[tilespmem:$0x1A6A0] =	vst v63  }
0xb2: {  	s16 =	simm.s32 @!p2 $0x12E8;
	s17 =	simm.s32 @!p2 $0xD220  }
0xb3: {  	[tilespmem:s17], [sflag:$0x1] =	stream.indirect.gather @!p2 [spmem:s1], $0x40, s16, s13, $0xb8;
	[tilespmem:$0x1A6A0] =	vst v63  }
0xb4: {  	s12 =	smov.u32 s30;
	_ =	swait.ge [sflag:s25], $0xC800  }
0xb5: {  	p2 =	seq.s32 s12, $0x0;
	[sflag:s25] =	ssyncset.done $0x0  }
0xb6: {  	s0 =	sadd.s32 $0x1900, s0;
	s13 =	simm.s32 @!p2 $0x4;
	[sflag:s25] =	ssyncadd.s32 $0xFFFF3800  }
0xb7: {  	[hbm4b:s0+s2] =	stream.linear.scatter [tilespmem:s23], [sflag:$0x4], $0xC800, $0x38;
	[tilespmem:$0x1A6A0] =	vst v63  }
0xb8: {  	_ =	swait.ge @!p2 [sflag:s13], $0xC800  }
0xb9: {  	[sflag:s13] =	ssyncset.done @!p2 $0x0  }
0xba: {  	[sflag:s13] =	ssyncadd.s32 @!p2 $0xFFFF3800  }
0xbb: {  	[tilespmem:s22], [sflag:$0x5] =	stream.linear.gather [hbm4b:s31+s2], $0x380, $0x38;
	[tilespmem:$0x1A6A0] =	vst v63  }
0xbc: {  	_ =	swait.ge [sflag:s9], $0x380  }
0xbd: {  	s0 =	sld [smem:$0x7FD]  }
0xbe: {  	s13 =	sld [smem:$0x7FB]  }
0xbf: {  	s14 =	rddreg [dreg:$0x1e]  }
0xc0: {  	s15 =	rddreg [dreg:$0x1c]  }
0xc1: {  	s16 =	rddreg [dreg:$0x1a]  }
0xc2: {  	s17 =	rddreg [dreg:$0x18]  }
0xc3: {  	s18 =	rddreg [dreg:$0x16]  }
0xc4: {  	s19 =	rddreg [dreg:$0x14]  }
0xc5: {  	s20 =	rddreg [dreg:$0x12]  }
0xc6: {  	s21 =	rddreg [dreg:$0x10]  }
0xc7: {  	s3 =	rddreg [dreg:$0xe]  }
0xc8: {  	s4 =	rddreg [dreg:$0xc]  }
0xc9: {  	s5 =	rddreg [dreg:$0x9]  }
0xca: {  	s8 =	rddreg [dreg:$0x7]  }
0xcb: {  	[sflag:s9] =	ssyncset.done $0x0;
	s7 =	rddreg [dreg:$0x5]  }
0xcc: {  	s26 =	rddreg [dreg:$0x6];
	[sflag:s9] =	ssyncadd.s32 $0xFFFFFC80  }
0xcd: {  	[tilespmem:s23], [sflag:$0x2] =	stream.indirect.gather [spmem:s1], $0x40, s22, s10, $0xb8;
	[tilespmem:$0x1A6A0] =	vst v63  }
0xce: {  	s28 =	rddreg [dreg:$0x8]  }
0xcf: {  	[tilespmem:s26], [sflag:$0x2] =	stream.indirect.gather [spmem:s1], $0x40, s7, s10, $0xb8;
	[tilespmem:$0x1A6A0] =	vst v63  }
0xd0: {  	s26 =	rddreg [dreg:$0xa]  }
0xd1: {  	[tilespmem:s28], [sflag:$0x2] =	stream.indirect.gather [spmem:s1], $0x40, s8, s10, $0xb8;
	[tilespmem:$0x1A6A0] =	vst v63  }
0xd2: {  	s7 =	rddreg [dreg:$0xd]  }
0xd3: {  	[tilespmem:s26], [sflag:$0x2] =	stream.indirect.gather [spmem:s1], $0x40, s5, s10, $0xb8;
	[tilespmem:$0x1A6A0] =	vst v63  }
0xd4: {  	s28 =	rddreg [dreg:$0xb]  }
0xd5: {  	[tilespmem:s4], [sflag:$0x2] =	stream.indirect.gather [spmem:s1], $0x40, s28, s10, $0xb8;
	[tilespmem:$0x1A6A0] =	vst v63  }
0xd6: {  	s8 =	rddreg [dreg:$0x17]  }
0xd7: {  	[tilespmem:s3], [sflag:$0x2] =	stream.indirect.gather [spmem:s1], $0x40, s7, s10, $0xb8;
	[tilespmem:$0x1A6A0] =	vst v63  }
0xd8: {  	s26 =	rddreg [dreg:$0xf]  }
0xd9: {  	[tilespmem:s21], [sflag:$0x2] =	stream.indirect.gather [spmem:s1], $0x40, s26, s10, $0xb8;
	[tilespmem:$0x1A6A0] =	vst v63  }
0xda: {  	s28 =	rddreg [dreg:$0x11]  }
0xdb: {  	[tilespmem:s20], [sflag:$0x2] =	stream.indirect.gather [spmem:s1], $0x40, s28, s10, $0xb8;
	[tilespmem:$0x1A6A0] =	vst v63  }
0xdc: {  	s5 =	rddreg [dreg:$0x13]  }
0xdd: {  	[tilespmem:s19], [sflag:$0x2] =	stream.indirect.gather [spmem:s1], $0x40, s5, s10, $0xb8;
	[tilespmem:$0x1A6A0] =	vst v63  }
0xde: {  	s7 =	rddreg [dreg:$0x15]  }
0xdf: {  	[tilespmem:s18], [sflag:$0x2] =	stream.indirect.gather [spmem:s1], $0x40, s7, s10, $0xb8;
	[tilespmem:$0x1A6A0] =	vst v63  }
0xe0: {  	s21 =	rddreg [dreg:$0x1f]  }
0xe1: {  	[tilespmem:s17], [sflag:$0x2] =	stream.indirect.gather [spmem:s1], $0x40, s8, s10, $0xb8;
	[tilespmem:$0x1A6A0] =	vst v63  }
0xe2: {  	s18 =	rddreg [dreg:$0x19]  }
0xe3: {  	[tilespmem:s16], [sflag:$0x2] =	stream.indirect.gather [spmem:s1], $0x40, s18, s10, $0xb8;
	[tilespmem:$0x1A6A0] =	vst v63  }
0xe4: {  	s19 =	rddreg [dreg:$0x1b]  }
0xe5: {  	[tilespmem:s15], [sflag:$0x2] =	stream.indirect.gather [spmem:s1], $0x40, s19, s10, $0xb8;
	[tilespmem:$0x1A6A0] =	vst v63  }
0xe6: {  	s20 =	rddreg [dreg:$0x1d]  }
0xe7: {  	[tilespmem:s14], [sflag:$0x2] =	stream.indirect.gather [spmem:s1], $0x40, s20, s10, $0xb8;
	[tilespmem:$0x1A6A0] =	vst v63  }
0xe8: {  	s26 =	sld [smem:$0x7FC]  }
0xe9: {  	[tilespmem:s13], [sflag:$0x2] =	stream.indirect.gather [spmem:s1], $0x40, s21, s10, $0xb8;
	[tilespmem:$0x1A6A0] =	vst v63  }
0xea: {  	_ = 	snop  }
0xeb: {  	[tilespmem:s0], [sflag:$0x2] =	stream.indirect.gather [spmem:s1], $0x40, s26, s10, $0xb8;
	[tilespmem:$0x1A6A0] =	vst v63  }
0xec: {  	_ =	swait.ge [sflag:s24], $0xC800  }
0xed: {  	p2 =	seq.s32 s12, $0x2EE00;
	s28 =	rddreg [dreg:$0x4];
	[sflag:s24] =	ssyncset.done $0x0  }
0xee: {  	s3 =	simm.s32 @!p2 $0x3;
	[sflag:s24] =	ssyncadd.s32 $0xFFFF3800;
	s0 =	sadd.s32 s12, s28  }
0xef: {  	[hbm4b:s0+s2] =	stream.linear.scatter [tilespmem:s11], [sflag:$0x3], $0xC800, $0x38;
	[tilespmem:$0x1A6A0] =	vst v63  }
0xf0: {  	_ =	swait.ge @!p2 [sflag:s3], $0xC800  }
0xf1: {  	s4 =	simm.s32 @!p2 $0xFA0;
	s5 =	sadd.s32 @!p2 $0x70, s31;
	[sflag:s3] =	ssyncset.done @!p2 $0x0  }
0xf2: {  	s7 =	simm.s32 @!p2 $0x0;
	[sflag:s3] =	ssyncadd.s32 @!p2 $0xFFFF3800;
	s3 =	simm.s32 @!p2 $0x5  }
0xf3: {  	[tilespmem:s4], [sflag:$0x5] =	stream.linear.gather @!p2 [hbm4b:s5+s7], $0x380, $0x38;
	[tilespmem:$0x1A6A0] =	vst v63  }
0xf4: {  	_ =	swait.ge @!p2 [sflag:s3], $0x380  }
0xf5: {  	[sflag:s3] =	ssyncset.done @!p2 $0x0  }
0xf6: {  	s13 =	simm.s32 @!p2 $0x32;
	s5 =	simm.s32 @!p2 $0x16A0;
	[sflag:s3] =	ssyncadd.s32 @!p2 $0xFFFFFC80  }
0xf7: {  	[tilespmem:s5], [sflag:$0x1] =	stream.indirect.gather @!p2 [spmem:s1], $0x40, s4, s13, $0xb8;
	[tilespmem:$0x1A6A0] =	vst v63  }
0xf8: {  	s7 =	simm.s32 @!p2 $0x2320;
	s3 =	simm.s32 @!p2 $0xFD8  }
0xf9: {  	[tilespmem:s7], [sflag:$0x1] =	stream.indirect.gather @!p2 [spmem:s1], $0x40, s3, s13, $0xb8;
	[tilespmem:$0x1A6A0] =	vst v63  }
0xfa: {  	s4 =	simm.s32 @!p2 $0x1010;
	s5 =	simm.s32 @!p2 $0x2FA0  }
0xfb: {  	[tilespmem:s5], [sflag:$0x1] =	stream.indirect.gather @!p2 [spmem:s1], $0x40, s4, s13, $0xb8;
	[tilespmem:$0x1A6A0] =	vst v63  }
0xfc: {  	s3 =	simm.s32 @!p2 $0x1048;
	s7 =	simm.s32 @!p2 $0x3C20  }
0xfd: {  	[tilespmem:s7], [sflag:$0x1] =	stream.indirect.gather @!p2 [spmem:s1], $0x40, s3, s13, $0xb8;
	[tilespmem:$0x1A6A0] =	vst v63  }
0xfe: {  	s4 =	simm.s32 @!p2 $0x1080;
	s5 =	simm.s32 @!p2 $0x48A0  }
0xff: {  	[tilespmem:s5], [sflag:$0x1] =	stream.indirect.gather @!p2 [spmem:s1], $0x40, s4, s13, $0xb8;
	[tilespmem:$0x1A6A0] =	vst v63  }
0x100: {  	s3 =	simm.s32 @!p2 $0x10B8;
	s7 =	simm.s32 @!p2 $0x5520  }
0x101: {  	[tilespmem:s7], [sflag:$0x1] =	stream.indirect.gather @!p2 [spmem:s1], $0x40, s3, s13, $0xb8;
	[tilespmem:$0x1A6A0] =	vst v63  }
0x102: {  	s30 =	sadd.s32 $0x3200, s30;
	s4 =	simm.s32 @!p2 $0x10F0;
	s5 =	simm.s32 @!p2 $0x61A0  }
0x103: {  	[tilespmem:s5], [sflag:$0x1] =	stream.indirect.gather @!p2 [spmem:s1], $0x40, s4, s13, $0xb8;
	[tilespmem:$0x1A6A0] =	vst v63  }
0x104: {  	p1 =	sne.s32 s30, $0x32000;
	s3 =	simm.s32 @!p2 $0x1128;
	s7 =	simm.s32 @!p2 $0x6E20  }
0x105: {  	[tilespmem:s7], [sflag:$0x1] =	stream.indirect.gather @!p2 [spmem:s1], $0x40, s3, s13, $0xb8;
	[tilespmem:$0x1A6A0] =	vst v63  }
.Ltmp0:
0x106: {  	s31 =	sadd.s32 $0xE0, s31;
	(pc) =	sbr.rel @p1 .LBB2_2-.Ltmp0, $4  }
0x107: {  	s15 =	simm.s32 @!p2 $0x93A0;
	s4 =	simm.s32 @!p2 $0x1160;
	s5 =	simm.s32 @!p2 $0x7AA0  }
0x108: {  	[tilespmem:s5], [sflag:$0x1] =	stream.indirect.gather @!p2 [spmem:s1], $0x40, s4, s13, $0xb8;
	[tilespmem:$0x1A6A0] =	vst v63  }
0x109: {  	s14 =	simm.s32 @!p2 $0x11D0;
	s3 =	simm.s32 @!p2 $0x1198;
	s7 =	simm.s32 @!p2 $0x8720  }
0x10a: {  	[tilespmem:s7], [sflag:$0x1] =	stream.indirect.gather @!p2 [spmem:s1], $0x40, s3, s13, $0xb8;
	[tilespmem:$0x1A6A0] =	vst v63  }
0x10b: {  	[tilespmem:s15], [sflag:$0x1] =	stream.indirect.gather @!p2 [spmem:s1], $0x40, s14, s13, $0xb8;
	[tilespmem:$0x1A6A0] =	vst v63  }
0x10c: {  	s3 =	simm.s32 @!p2 $0x1208;
	s4 =	simm.s32 @!p2 $0xA020  }
0x10d: {  	[tilespmem:s4], [sflag:$0x1] =	stream.indirect.gather @!p2 [spmem:s1], $0x40, s3, s13, $0xb8;
	[tilespmem:$0x1A6A0] =	vst v63  }
0x10e: {  	s3 =	simm.s32 @!p2 $0x1240;
	s4 =	simm.s32 @!p2 $0xACA0  }
0x10f: {  	[tilespmem:s4], [sflag:$0x1] =	stream.indirect.gather @!p2 [spmem:s1], $0x40, s3, s13, $0xb8;
	[tilespmem:$0x1A6A0] =	vst v63  }
0x110: {  	s3 =	simm.s32 @!p2 $0x1278;
	s4 =	simm.s32 @!p2 $0xB920  }
0x111: {  	[tilespmem:s4], [sflag:$0x1] =	stream.indirect.gather @!p2 [spmem:s1], $0x40, s3, s13, $0xb8;
	[tilespmem:$0x1A6A0] =	vst v63  }
0x112: {  	s3 =	simm.s32 @!p2 $0x12B0;
	s4 =	simm.s32 @!p2 $0xC5A0  }
0x113: {  	[tilespmem:s4], [sflag:$0x1] =	stream.indirect.gather @!p2 [spmem:s1], $0x40, s3, s13, $0xb8;
	[tilespmem:$0x1A6A0] =	vst v63  }
0x114: {  	s3 =	simm.s32 @!p2 $0x12E8;
	s4 =	simm.s32 @!p2 $0xD220  }
0x115: {  	[tilespmem:s4], [sflag:$0x1] =	stream.indirect.gather @!p2 [spmem:s1], $0x40, s3, s13, $0xb8;
	[tilespmem:$0x1A6A0] =	vst v63  }
0x116: {  	_ =	swait.ge [sflag:s25], $0xC800  }
0x117: {  	[sflag:s25] =	ssyncset.done $0x0  }
0x118: {  	s0 =	sadd.s32 $0x1900, s0;
	s28 =	simm.s32 $0x3;
	[sflag:s25] =	ssyncadd.s32 $0xFFFF3800  }
0x119: {  	[hbm4b:s0+s2] =	stream.linear.scatter [tilespmem:s23], [sflag:$0x4], $0xC800, $0x38;
	[tilespmem:$0x1A6A0] =	vst v63  }
0x11a: {  	_ =	swait.ge [sflag:s28], $0xC800  }
0x11b: {  	[sflag:s28] =	ssyncset.done $0x0  }
0x11c: {  	s30 =	simm.s32 $0x4;
	[sflag:s28] =	ssyncadd.s32 $0xFFFF3800  }
0x11d: {  	_ =	swait.ge [sflag:s30], $0xC800  }
0x11e: {  	s31 =	sld [smem:$0x7F9];
	_ =	sdelay $0x1  }
0x11f: {  	s29 =	sadd.s32 $0x1, s29  }
0x120: {  	p1 =	sne.s32 s29, s31  }
.Ltmp1:
0x121: {  	_ = 	snop;
	(pc) =	sbr.rel @p1 .LBB2_1-.Ltmp1, $3  }
0x122: {  	_ =	sdelay $0x1  }
0x123: {  	[sflag:s30] =	ssyncset.done $0x0  }
0x124: {  	[sflag:s30] =	ssyncadd.s32 $0xFFFF3800  }
0x125: {  	_ =	sfence.sel $0x180000  }
0x126: {  	[bflag:$0x0] =	sbarrier.arrive $0xFFFF  }
0x127: {  	_ =	strace $0x90000047  }
0x128: {  	[bflag:$0x2] =	sbarrier.arrive $0xFFFF  }
0x129: {  	s0 =	rddreg [dreg:$0x3]  }
0x12a: {  	s0 =	sadd.s32 @!p0 $0x100000, s0  }
0x12b: {  	[sflag:s0] =	ssyncadd.tile.s32 @!p0 $0x1;
	_ =	shalt  }
.Lfunc_end2:
_tile_overlayer_lowered:
.L_overlay_start_2:
0x12c: {  	(tag) =	ssettag $0x2  }
0x12d: {  	s0 =	rddreg [dreg:$0x0];
	s2 =	stileid.u32  }
0x12e: {  	s1 =	rddreg [dreg:$0x1];
	p0 =	sne.s32 s2, $0x0  }
0x12f: {  	s3 =	rddreg [dreg:$0x2];
	[bflag:$0x3] =	sbarrier.arrive $0xFFFF;
	s2 =	simm.s32 @!p0 $0x1C05  }
0x130: {  	[timem:s3], [sflag:s2] =	dma.local @!p0 [hbm:s0], s1  }
0x131: {  	s0 =	simm.s32 @!p0 $0x5  }
0x132: {  	_ =	swait.ge @!p0 [sflag:s0], s1  }
0x133: {  	s1 =	ssub.s32 @!p0 $0x0, s1;
	[sflag:s0] =	ssyncset.done @!p0 $0x0  }
0x134: {  	[sflag:s0] =	ssyncadd.s32 @!p0 s1  }
0x135: {  	[bflag:$0x3] =	sbarrier.arrive $0xFFFF  }
0x136: {  	_ =	shalt  }

// kernel: sparse-core-data-format-call.cloned.1.call-start
scs
called_computation_lowered:
.L_overlay_start_0:
0x0: {  	s2 =	sld [smem:$0x3FD9]  }
0x1: {  	s3 =	sld [smem:$0x3FFE];
	_ =	sdelay $0x1  }
0x2: {  	s1 =	srdreg.scid  }
0x3: {  	s0 =	sand.u32 $0x1, s1  }
0x4: {  	s18 =	sshll.u32 s0, $0xA;
	s2 =	sadd.s32 s3, s2  }
0x5: {  	s2 =	sadd.s32 s2, s18  }
0x6: {  	[smem:$0x3FC6] =	sst s2  }
0x7: {  	_ = 	snop  }
0x8: {  	s2 =	sld [smem:$0x3FD0];
	(tm) =	ssettm $0x1  }
0x9: {  	s19 =	sld [smem:$0x3FFB];
	_ =	sdelay $0x3  }
0xa: {  	_ =	strace s19  }
0xb: {  	s3 =	sld [smem:$0x3FFC];
	_ =	sdelay $0x3  }
0xc: {  	_ =	strace s3  }
0xd: {  	s3 =	sld [smem:$0x3FFD];
	_ =	sdelay $0x3  }
0xe: {  	_ =	strace s3  }
0xf: {  	_ =	strace $0x8FFFFFFF  }
0x10: {  	s20 =	sld [smem:$0x3FDB];
	_ =	sdelay $0x1  }
0x11: {  	s4 =	simm.s32 $_scs_section_size  }
0x12: {  	s5 =	simm.s32 $_size__tile_overlayer_lowered;
	s6 =	simm.s32 $_tile_overlayer_lowered  }
0x13: {  	s23 =	simm.s32 $0x1BFF;
	s22 =	sshll.u32 s6, $0x1;
	s3 =	sadd.s32 s4, s20  }
0x14: {  	s7 =	simm.s32 $0x0;
	s21 =	sshll.u32 s5, $0x1;
	s5 =	sadd.s32 s22, s3  }
0x15: {  	[timem:s7], [sflag:s23] =	dma.local [hbm:s5], s21  }
0x16: {  	_ =	swait.ge [sflag:s23], s21  }
0x17: {  	s4 =	ssub.s32 $0x0, s21;
	[sflag:s23] =	ssyncset.done $0x0  }
0x18: {  	[sflag:s23] =	ssyncadd.s32 s4;
	_ =	sdelay $0x1  }
0x19: {  	s24 =	simm.s32 $0x1B8B  }
0x1a: {  	_ =	swait.ge [sflag:s24], $0x1  }
0x1b: {  	[sflag:s24] =	ssyncset.done $0x0  }
0x1c: {  	s26 =	simm.s32 $0x1B8E;
	s25 =	sld [smem:$0x3FFE];
	[sflag:s24] =	ssyncadd.s32 $0xFFFFFFFF  }
0x1d: {  	s27 =	simm.s32 $execute0_lowered;
	[smem:$0x3FD2] =	sst s26  }
0x1e: {  	s5 =	sshll.u32 s27, $0x1;
	_ =	strace $0x80000049;
	[dreg:$0x1] =	wrdreg $0xFFFFFFFF  }
0x1f: {  	s28 =	simm.s32 $_size_execute0_lowered;
	s3 =	sadd.s32 s3, s5;
	[dreg:$0x0] =	wrdreg $0x0  }
0x20: {  	s5 =	sshll.u32 s28, $0x1;
	[dreg:$0x2] =	wrdreg s3  }
0x21: {  	[dreg:$0x3] =	wrdreg s5  }
0x22: {  	[dreg:$0x4] =	wrdreg $0xC0  }
0x23: {  	_ =	task [dreg:s7], $0x5FFFF  }
0x24: {  	[dreg:$0x1] =	wrdreg $0xFFFFFFFF  }
0x25: {  	[dreg:$0x0] =	wrdreg $0x60  }
0x26: {  	[dreg:$0x2] =	wrdreg s25  }
0x27: {  	[dreg:$0x3] =	wrdreg s2  }
0x28: {  	[dreg:$0x4] =	wrdreg $0x9  }
0x29: {  	_ =	task.clear_ibuf [dreg:s7], $0x5FFFF;
	_ =	strace $0x90000049  }
0x2a: {  	s29 =	simm.s32 $0x9;
	_ =	strace $0x8000004B  }
0x2b: {  	_ =	swait.ge [sflag:s29], $0x1  }
0x2c: {  	[sflag:s29] =	ssyncadd.s32 $0xFFFFFFFF  }
0x2d: {  	_ =	strace $0x9000004B  }
0x2e: {  	_ =	sfence  }
0x2f: {  	s30 =	sld [smem:$0x0];
	_ =	sdelay $0x2  }
0x30: {  	s31 =	sshll.u32 s1, $0xD;
	s1 =	sshrl.u32 s1, $0x2  }
0x31: {  	s3 =	sand.u32 $0x4000, s31;
	s1 =	sadd.s32 s1, s30  }
0x32: {  	s0 =	sor.u32 s3, s0;
	s1 =	sshll.u32 s1, $0x11  }
0x33: {  	s0 =	sor.u32 s1, s0  }
0x34: {  	s0 =	sadd.s32 $0x8F2B, s0  }
0x35: {  	[sflag:s0] =	ssyncadd.remote.s32 $0x1  }
0x36: {  	_ =	sfence.sel $0xFFFF  }
0x37: {  	[dreg:$0x0] =	wrdreg $0xFFFFFFFF;
	(pc) =	sbr.abs _section_cstart, $3  }
0x38: {  	[dreg:$0x1] =	wrdreg $0xFFFFFFFF  }
0x39: {  	_ =	task.clear_ibuf [dreg:s7], $0x2FFFF;
	_ =	strace $0x9FFFFFFF  }
0x3a: {  	(tm) =	ssettm $0x7FFFFFFF  }
0x3b: {  	_ =	shalt  }
tec
execute0_lowered:
.L_overlay_start_1:
0x0: {  	(tag) =	ssettag $0x1  }
0x1: {  	s0 =	srdreg.scid  }
0x2: {  	s1 =	sshll.u32 s0, $0x4  }
0x3: {  	s0 =	stileid.u32;
	s1 =	sand.u32 $0x10, s1  }
0x4: {  	s1 =	sor.u32 s0, s1  }
0x5: {  	s6 =	rddreg [dreg:$0x0];
	s4 =	simm.s32 $0x1;
	s2 =	sshll.u32 s1, $0x7  }
0x6: {  	s7 =	simm.s32 $0x2;
	s12 =	simm.s32 $0x0;
	s1 =	ssub.s32 $0x4000, s2  }
0x7: {  	s8 =	simm.s32 $0x20000;
	s13 =	simm.s32 $0x0;
	s3 =	sand.u32 $0xF80, s1  }
0x8: {  	s9 =	simm.s32 $0x0;
	s5 =	sshrl.u32 s1, $0xC;
	p0 =	sne.s32 s3, $0x0  }
.Ltmp0:
0x9: {  	s1 =	rddreg [dreg:$0x2];
	s4 =	simm.s32 @!p0 $0x0;
	(pc) =	sbr.rel .LBB1_1-.Ltmp0, $4  }
0xa: {  	s11 =	simm.s32 $0x0;
	s3 =	rddreg [dreg:$0x1];
	s5 =	sadd.s32 s4, s5  }
0xb: {  	_ =	strace $0x8000004A;
	s4 =	simm.s32 $0x1;
	s5 =	smul.u32 $0x32, s5  }
0xc: {  	s6 =	sadd.s32 $0x800, s6;
	s10 =	smov.u32 s2;
	[sflag:s4] =	ssyncpa.u1 $0x0  }
0xd: {  	p0 =	por $0x0, $0x0;
	[sflag:s7] =	ssyncpa.u1 $0x0;
	s7 =	sor.u32 $0x1, s5  }
.LBB1_4:
0xe: {  	s16 =	sshll.u32 s13, $0x3;
	s17 =	sand.u32 $0x78, s13  }
0xf: {  	s30 =	sand.u32 $0x1F800, s13;
	s12 =	sshll.u32 s12, $0x11;
	s16 =	sand.u32 $0x3C00, s16  }
0x10: {  	[tilespmem:s15+$0x810 ss:$0x81] =	vst.msk $0xffff, v2;
	s31 =	sand.u32 $0x7, s13;
	s16 =	sor.u32 s17, s16;
	s17 =	sadd.s32 s3, s30  }
0x11: {  	[tilespmem:s15+$0x1020 ss:$0x81] =	vst.msk $0xffff, v0;
	s13 =	sshll.u32 s31, $0x12;
	s12 =	sadd.s32 s12, s17;
	s16 =	sshrl.u32 s16, $0x3  }
0x12: {  	[tilespmem:s15+$0x0 ss:$0x81] =	vst.msk $0xffff, v1;
	s13 =	sor.u32 $0x400, s13;
	s12 =	sadd.s32 s16, s12  }
0x13: {  	[hbm4b:s12+s13] =	stream.strided.scatter [tilespmem:s14], [sflag:$0x2], $0x2000, s8, s13, $0x20;
	[tilespmem:$0x8080] =	vst v63  }
.LBB1_5:
0x14: {  	s14 =	sadd.s32 $0x1, s9  }
0x15: {  	s12 =	sadd.s32 $0x1000, s10;
	s16 =	smov.u32 s10;
	p2 =	sgt.s32 s14, $0x31  }
0x16: {  	s16 =	smov.u32 @p2 s12  }
0x17: {  	s14 =	simm.s32 @p2 $0x0;
	p2 =	sgt.s32 s16, $0x3FFF  }
0x18: {  	s16 =	smov.u32 @p2 s2;
	p2 =	sne.s32 s11, s7  }
.Ltmp1:
0x19: {  	p1 =	slt.u32 s11, $0x2;
	(pc) =	sbr.rel @!p2 .LBB1_6-.Ltmp1, $4  }
0x1a: {  	s15 =	simm.s32 @!p1 $0x2  }
0x1b: {  	s13 =	smov.u32 s10;
	p0 =	por !p0, !p0;
	_ =	swait.ge @!p1 [sflag:s15], $0x2000  }
0x1c: {  	s12 =	smov.u32 s9;
	[sflag:s15] =	ssyncset.done @!p1 $0x0;
	s9 =	smov.u32 s14  }
0x1d: {  	s11 =	sadd.s32 $0x1, s11;
	[sflag:s15] =	ssyncadd.s32 @!p1 $0xFFFFE000;
	s10 =	smov.u32 s16  }
.LBB1_1:
0x1e: {  	p1 =	sge.u32 s11, s5  }
0x1f: {  	s14 =	sand.u32 @!p1 $0x1FFFFFF, s9  }
0x20: {  	s15 =	smulhi.u32 @!p1 $0x4924925, s14;
	_ =	sdelay $0x1  }
0x21: {  	s15 =	smul.u32 @!p1 $0x38, s15  }
0x22: {  	s16 =	sxor.u32 @!p1 $0xFFFFFFFF, s11;
	s17 =	smul.u32 @!p1 $0x380, s10  }
0x23: {  	s31 =	sadd.s32 $0xFFFFFFFF, s11;
	s16 =	sshll.u32 @!p1 s16, $0xD;
	s14 =	ssub.s32 @!p1 s14, s15  }
0x24: {  	s15 =	sand.u32 @!p1 $0x2000, s16;
	s16 =	sadd.s32 @!p1 s6, s17;
	s14 =	sshll.u32 @!p1 s14, $0x4  }
0x25: {  	s17 =	simm.s32 @!p1 $0x1C00;
	s14 =	sadd.s32 @!p1 s14, s16;
	s16 =	simm.s32 @!p1 $0x40  }
0x26: {  	[tilespmem:s15], [sflag:$0x1] =	stream.strided.gather @!p1 [hbm4b:s14+s16], $0x2000, s17, s16, $0x38;
	[tilespmem:$0x8080] =	vst v63  }
0x27: {  	p1 =	sge.u32 s31, s5  }
.Ltmp2:
0x28: {  	_ = 	snop;
	(pc) =	sbr.rel @p1 .LBB1_5-.Ltmp2, $1  }
0x29: {  	_ =	sdelay $0x3  }
0x2a: {  	s14 =	simm.s32 $0x1  }
0x2b: {  	_ =	swait.ge [sflag:s4], $0x2000;
	s14 =	simm.s32 @!p0 $0x0  }
0x2c: {  	[sflag:s4] =	ssyncset.done $0x0;
	s15 =	sshll.u32 s14, $0xD  }
0x2d: {  	[sflag:s4] =	ssyncadd.s32 $0xFFFFE000;
	s18 =	sor.u32 $0x20, s15  }
0x2e: {  	s14 =	smul.u32 $0x8100, s14;
	v3 =	vld [tilespmem:s18+$0x10]  }
0x2f: {  	s30 =	sand.u32 $0x1, s11;
	v2 =	vld [tilespmem:s18+$0xFFFFFFF0]  }
0x30: {  	s15 =	smul.u32 $0x8100, s30;
	s14 =	sshrl.u32 s14, $0x2;
	v0 =	vld [tilespmem:s18+$0x0]  }
0x31: {  	v1 =	vld [tilespmem:s18+$0xFFFFFFE0];
	s16 =	sor.u32 $0x4000, s14  }
0x32: {  	s31 =	sshrl.u32 s15, $0x2;
	s15 =	sadd.s32 $0x0, s16  }
0x33: {  	s17 =	simm.s32 $0x4;
	s18 =	sadd.s32 $0x40, s18;
	s14 =	sor.u32 $0x4000, s31;
	[tilespmem:s15+$0x1830 ss:$0x81] =	vst.msk $0xffff, v3  }
.LBB1_3:
0x34: {  	v3 =	vld [tilespmem:s18+$0x10];
	p1 =	sne.s32 s17, $0x1FC;
	[tilespmem:s15+$0x810 ss:$0x81] =	vst.msk $0xffff, v2;
	s19 =	smov.u32 s17;
	s17 =	sadd.s32 $0x4, s17  }
.Ltmp3:
0x35: {  	v2 =	vld [tilespmem:s18+$0xFFFFFFF0];
	[tilespmem:s15+$0x1020 ss:$0x81] =	vst.msk $0xffff, v0;
	(pc) =	sbr.rel @p1 .LBB1_3-.Ltmp3, $4  }
0x36: {  	v0 =	vld [tilespmem:s18+$0x0];
	[tilespmem:s15+$0x0 ss:$0x81] =	vst.msk $0xffff, v1  }
0x37: {  	s15 =	sshra.s32 s19, $0x2;
	v1 =	vld [tilespmem:s18+$0xFFFFFFE0]  }
0x38: {  	s15 =	sadd.s32 s15, s16  }
0x39: {  	s18 =	sadd.s32 $0x40, s18;
	[tilespmem:s15+$0x1830 ss:$0x81] =	vst.msk $0xffff, v3  }
.Ltmp4:
0x3a: {  	_ = 	snop;
	(pc) =	sbr.rel .LBB1_4-.Ltmp4, $1  }
0x3b: {  	_ =	sdelay $0x3  }
.LBB1_6:
0x3c: {  	_ =	sfence.sel $0x180000  }
0x3d: {  	s2 =	simm.s32 $0x1;
	[bflag:$0x0] =	sbarrier.arrive $0xFFFF  }
0x3e: {  	s31 =	simm.s32 $0x2;
	[sflag:s2] =	ssyncpa.u1 $0x1  }
0x3f: {  	[sflag:s31] =	ssyncpa.u1 $0x1  }
0x40: {  	p0 =	sne.s32 s0, $0x0;
	_ =	strace $0x9000004A  }
0x41: {  	s0 =	sadd.s32 @!p0 $0x100000, s1;
	[bflag:$0x2] =	sbarrier.arrive $0xFFFF  }
0x42: {  	[sflag:s0] =	ssyncadd.tile.s32 @!p0 $0x1;
	_ =	shalt  }
.Lfunc_end1:
_tile_overlayer_lowered:
.L_overlay_start_2:
0x43: {  	(tag) =	ssettag $0x2  }
0x44: {  	s0 =	rddreg [dreg:$0x0];
	s2 =	stileid.u32  }
0x45: {  	s1 =	rddreg [dreg:$0x1];
	p0 =	sne.s32 s2, $0x0  }
0x46: {  	s3 =	rddreg [dreg:$0x2];
	[bflag:$0x3] =	sbarrier.arrive $0xFFFF;
	s2 =	simm.s32 @!p0 $0x1C01  }
0x47: {  	[timem:s3], [sflag:s2] =	dma.local @!p0 [hbm:s0], s1  }
0x48: {  	s0 =	simm.s32 @!p0 $0x1  }
0x49: {  	_ =	swait.ge @!p0 [sflag:s0], s1  }
0x4a: {  	s1 =	ssub.s32 @!p0 $0x0, s1;
	[sflag:s0] =	ssyncset.done @!p0 $0x0  }
0x4b: {  	[sflag:s0] =	ssyncadd.s32 @!p0 s1  }
0x4c: {  	[bflag:$0x3] =	sbarrier.arrive $0xFFFF  }
0x4d: {  	_ =	shalt  }

</sc_bundles>
